<compile_context>
chip_gen: v7x
topology: tpu7x:2x2x1
jax: 0.10.2.dev20260603
libtpu: 0.0.44.dev20260713+nightly
codegen_flags: <defaults>
</compile_context>

<pallas_src>
import functools

import jax
import jax.numpy as jnp
from jax import lax
from jax.experimental import pallas as pl
from jax.experimental.pallas import tpu as pltpu
from jax.experimental.pallas import tpu_sc as plsc

_NC = 2
_NS = 16
_NW = _NC * _NS

_NBUF = 4
_CH = 128


def _emb_call(xf, tp):
    n = xf.shape[0]
    dp = tp.shape[1]
    rpw = n // _NW
    chunks = rpw // _CH
    rounds = chunks // _NBUF
    mesh = plsc.VectorSubcoreMesh(core_axis_name="c", subcore_axis_name="s")

    @functools.partial(
        pl.kernel,
        mesh=mesh,
        out_type=jax.ShapeDtypeStruct((n, dp), jnp.float32),
        scratch_types=[
            pltpu.VMEM((rpw,), jnp.int32),
            pltpu.VMEM((_NBUF, _CH, dp), jnp.float32),
            [pltpu.SemaphoreType.DMA] * _NBUF,
            [pltpu.SemaphoreType.DMA] * _NBUF,
        ],
        compiler_params=pltpu.CompilerParams(use_tc_tiling_on_sc=True),
    )
    def emb(x_hbm, table_hbm, out_hbm, idx_all, rows, gsems, osems):
        wid = lax.axis_index("s") * _NC + lax.axis_index("c")
        base = wid * rpw
        pltpu.sync_copy(x_hbm.at[pl.ds(base, rpw)], idx_all)

        def fire_gather(c, s):
            pltpu.async_copy(
                table_hbm.at[idx_all.at[pl.ds(c * _CH, _CH)]],
                rows.at[s], gsems[s])

        def drain_gather(c, s):
            pltpu.make_async_copy(
                table_hbm.at[idx_all.at[pl.ds(c * _CH, _CH)]],
                rows.at[s], gsems[s]).wait()

        def fire_out(c, s):
            pltpu.async_copy(
                rows.at[s], out_hbm.at[pl.ds(base + c * _CH, _CH)], osems[s])

        def wait_out(c, s):
            pltpu.make_async_copy(
                rows.at[s], out_hbm.at[pl.ds(base + c * _CH, _CH)],
                osems[s]).wait()

        for s in range(_NBUF):
            fire_gather(s, s)

        def body(i, carry):
            for s in range(_NBUF):
                c = i * _NBUF + s
                drain_gather(c, s)
                fire_out(c, s)
            for s in range(_NBUF):
                c = i * _NBUF + s
                wait_out(c, s)
                fire_gather(c + _NBUF, s)
            return carry

        lax.fori_loop(0, rounds - 1, body, 0)

        for s in range(_NBUF):
            c = (rounds - 1) * _NBUF + s
            drain_gather(c, s)
            fire_out(c, s)
        for s in range(_NBUF):
            c = (rounds - 1) * _NBUF + s
            wait_out(c, s)

    return emb(xf, tp)


def kernel(x, table):
    b, l = x.shape
    _, d = table.shape
    xf = x.reshape(b * l).astype(jnp.int32)
    tp = jnp.pad(table, ((0, 0), (0, d)))
    out128 = _emb_call(xf, tp)
    return out128[:, :d].reshape(b, l, d)

# --- scband reference (transcript-rebuilt; emitter-appended) ---
"""Pipeline reference for scband-input-embedding-8778913153476 (READ-ONLY COPY).

The authoritative reference and input builder live on the scoring server;
editing this copy changes nothing except your own understanding.
"""

import jax, jax.numpy as jnp
import numpy as np

VOCAB = 1000000
EMBED = 64
B = 4096
L = 200

def setup_inputs(seed: int = 0) -> dict:
    key = jax.random.key(seed)
    k1, k2 = jax.random.split(key)
    x = jax.random.randint(k1, (B, L), 0, VOCAB, dtype=jnp.int64) if jax.config.read('jax_enable_x64') else jax.random.randint(k1, (B, L), 0, VOCAB, dtype=jnp.int32)
    table = jax.random.normal(k2, (VOCAB, EMBED), dtype=jnp.float32)
    return {"x": x, "table": table}

def reference(x, table):
    # nn.Embedding forward: gather rows of the embedding table
    return jnp.take(table, x, axis=0)

if __name__ == "__main__":
    import jax
    _d = setup_inputs()
    print(jax.jit(kernel)(*tuple(_d.values())))

</pallas_src>

<mosaic_0001>
#map = affine_map<(d0, d1) -> (0)>
#map1 = affine_map<(d0, d1) -> (0, 0)>
module attributes {stable_mosaic.version = 14 : i64} {
  func.func @emb(%arg0: i32, %arg1: i32, %arg2: memref<819200xi32, #tpu.memory_space<hbm>>, %arg3: memref<1000000x128xf32, #tpu.memory_space<hbm>>, %arg4: memref<819200x128xf32, #tpu.memory_space<hbm>>, %arg5: memref<25600xi32, #tpu.memory_space<vmem>>, %arg6: memref<4x128x128xf32, #tpu.memory_space<vmem>>, %arg7: memref<!tpu.dma_semaphore, #tpu.memory_space<semaphore_mem>>, %arg8: memref<!tpu.dma_semaphore, #tpu.memory_space<semaphore_mem>>, %arg9: memref<!tpu.dma_semaphore, #tpu.memory_space<semaphore_mem>>, %arg10: memref<!tpu.dma_semaphore, #tpu.memory_space<semaphore_mem>>, %arg11: memref<!tpu.dma_semaphore, #tpu.memory_space<semaphore_mem>>, %arg12: memref<!tpu.dma_semaphore, #tpu.memory_space<semaphore_mem>>, %arg13: memref<!tpu.dma_semaphore, #tpu.memory_space<semaphore_mem>>, %arg14: memref<!tpu.dma_semaphore, #tpu.memory_space<semaphore_mem>>) attributes {dimension_semantics = [#tpu.dimension_semantics<core_parallel>, #tpu.dimension_semantics<subcore_parallel>], iteration_bounds = array<i64: 2, 16>, scalar_prefetch = 0 : i64, scratch_operands = 10 : i64, tpu.core_type = #tpu.core_type<sc_vector_subcore>, window_params = [{transform_indices = #map}, {transform_indices = #map1}, {transform_indices = #map1}]} {
    %mul3A = arith.constant 2 : i32
    %mul3A_0 = arith.muli %arg1, %mul3A : i32
    %add3A = arith.addi %mul3A_0, %arg0 : i32
    %mul3A_1 = arith.constant 25600 : i32
    %mul3A_2 = arith.muli %add3A, %mul3A_1 : i32
    "tpu.region"() ({
      %run_scoped3A = tpu.sem_alloc : memref<!tpu.dma_semaphore, #tpu.memory_space<semaphore_mem>>
      %dma_start3A_206 = tpu.memref_slice %arg2[%mul3A_2] : memref<819200xi32, #tpu.memory_space<hbm>> -> memref<25600xi32, #tpu.memory_space<hbm>>
      %dma_start3A_207 = tpu.memref_slice %arg2[%mul3A_2] : memref<819200xi32, #tpu.memory_space<hbm>> -> memref<25600xi32, #tpu.memory_space<hbm>>
      tpu.enqueue_dma source(%dma_start3A_207 : memref<25600xi32, #tpu.memory_space<hbm>>) target(%arg5 : memref<25600xi32, #tpu.memory_space<vmem>>) target_semaphore(%run_scoped3A : memref<!tpu.dma_semaphore, #tpu.memory_space<semaphore_mem>>)
      %dma_wait3A_208 = tpu.memref_slice %arg2[%mul3A_2] : memref<819200xi32, #tpu.memory_space<hbm>> -> memref<25600xi32, #tpu.memory_space<hbm>>
      %dma_wait3A_209 = tpu.memref_slice %arg2[%mul3A_2] : memref<819200xi32, #tpu.memory_space<hbm>> -> memref<25600xi32, #tpu.memory_space<hbm>>
      tpu.wait_dma2 semaphore(%run_scoped3A : memref<!tpu.dma_semaphore, #tpu.memory_space<semaphore_mem>>) src(%dma_wait3A_209 : memref<25600xi32, #tpu.memory_space<hbm>>) dst(%arg5 : memref<25600xi32, #tpu.memory_space<vmem>>)
      tpu.yield
    }) : () -> ()
    %dma_start3A = arith.constant 0 : i32
    %dma_start3A_3 = arith.constant 0 : i32
    %dma_start3A_4 = arith.constant 0 : i32
    %dma_start3A_5 = tpu.memref_slice %arg6[%dma_start3A, %dma_start3A_3, %dma_start3A_4] : memref<4x128x128xf32, #tpu.memory_space<vmem>> -> memref<1x128x128xf32, #tpu.memory_space<vmem>>
    %dma_start3A_6 = tpu.memref_squeeze %dma_start3A_5 : memref<1x128x128xf32, #tpu.memory_space<vmem>> -> memref<128x128xf32, #tpu.memory_space<vmem>>
    %dma_start3A_7 = arith.constant 0 : i32
    %dma_start3A_8 = tpu.memref_slice %arg5[%dma_start3A_7] : memref<25600xi32, #tpu.memory_space<vmem>> -> memref<128xi32, #tpu.memory_space<vmem>>
    %dma_start3A_9 = arith.constant 0 : i32
    %dma_start3A_10 = arith.constant 0 : i32
    %dma_start3A_11 = tpu.memref_slice %arg3[%dma_start3A_9, %dma_start3A_10] : memref<1000000x128xf32, #tpu.memory_space<hbm>> -> memref<1000000x128xf32, #tpu.memory_space<hbm>>
    tpu.enqueue_indirect_dma source(%dma_start3A_11 : memref<1000000x128xf32, #tpu.memory_space<hbm>>) target(%dma_start3A_6 : memref<128x128xf32, #tpu.memory_space<vmem>>) offsets(%dma_start3A_8 : memref<128xi32, #tpu.memory_space<vmem>>) semaphore(%arg7 : memref<!tpu.dma_semaphore, #tpu.memory_space<semaphore_mem>>)
    %dma_start3A_12 = arith.constant 1 : i32
    %dma_start3A_13 = arith.constant 0 : i32
    %dma_start3A_14 = arith.constant 0 : i32
    %dma_start3A_15 = tpu.memref_slice %arg6[%dma_start3A_12, %dma_start3A_13, %dma_start3A_14] : memref<4x128x128xf32, #tpu.memory_space<vmem>> -> memref<1x128x128xf32, #tpu.memory_space<vmem>>
    %dma_start3A_16 = tpu.memref_squeeze %dma_start3A_15 : memref<1x128x128xf32, #tpu.memory_space<vmem>> -> memref<128x128xf32, #tpu.memory_space<vmem>>
    %dma_start3A_17 = arith.constant 128 : i32
    %dma_start3A_18 = tpu.memref_slice %arg5[%dma_start3A_17] : memref<25600xi32, #tpu.memory_space<vmem>> -> memref<128xi32, #tpu.memory_space<vmem>>
    %dma_start3A_19 = arith.constant 0 : i32
    %dma_start3A_20 = arith.constant 0 : i32
    %dma_start3A_21 = tpu.memref_slice %arg3[%dma_start3A_19, %dma_start3A_20] : memref<1000000x128xf32, #tpu.memory_space<hbm>> -> memref<1000000x128xf32, #tpu.memory_space<hbm>>
    tpu.enqueue_indirect_dma source(%dma_start3A_21 : memref<1000000x128xf32, #tpu.memory_space<hbm>>) target(%dma_start3A_16 : memref<128x128xf32, #tpu.memory_space<vmem>>) offsets(%dma_start3A_18 : memref<128xi32, #tpu.memory_space<vmem>>) semaphore(%arg8 : memref<!tpu.dma_semaphore, #tpu.memory_space<semaphore_mem>>)
    %dma_start3A_22 = arith.constant 2 : i32
    %dma_start3A_23 = arith.constant 0 : i32
    %dma_start3A_24 = arith.constant 0 : i32
    %dma_start3A_25 = tpu.memref_slice %arg6[%dma_start3A_22, %dma_start3A_23, %dma_start3A_24] : memref<4x128x128xf32, #tpu.memory_space<vmem>> -> memref<1x128x128xf32, #tpu.memory_space<vmem>>
    %dma_start3A_26 = tpu.memref_squeeze %dma_start3A_25 : memref<1x128x128xf32, #tpu.memory_space<vmem>> -> memref<128x128xf32, #tpu.memory_space<vmem>>
    %dma_start3A_27 = arith.constant 256 : i32
    %dma_start3A_28 = tpu.memref_slice %arg5[%dma_start3A_27] : memref<25600xi32, #tpu.memory_space<vmem>> -> memref<128xi32, #tpu.memory_space<vmem>>
    %dma_start3A_29 = arith.constant 0 : i32
    %dma_start3A_30 = arith.constant 0 : i32
    %dma_start3A_31 = tpu.memref_slice %arg3[%dma_start3A_29, %dma_start3A_30] : memref<1000000x128xf32, #tpu.memory_space<hbm>> -> memref<1000000x128xf32, #tpu.memory_space<hbm>>
    tpu.enqueue_indirect_dma source(%dma_start3A_31 : memref<1000000x128xf32, #tpu.memory_space<hbm>>) target(%dma_start3A_26 : memref<128x128xf32, #tpu.memory_space<vmem>>) offsets(%dma_start3A_28 : memref<128xi32, #tpu.memory_space<vmem>>) semaphore(%arg9 : memref<!tpu.dma_semaphore, #tpu.memory_space<semaphore_mem>>)
    %dma_start3A_32 = arith.constant 3 : i32
    %dma_start3A_33 = arith.constant 0 : i32
    %dma_start3A_34 = arith.constant 0 : i32
    %dma_start3A_35 = tpu.memref_slice %arg6[%dma_start3A_32, %dma_start3A_33, %dma_start3A_34] : memref<4x128x128xf32, #tpu.memory_space<vmem>> -> memref<1x128x128xf32, #tpu.memory_space<vmem>>
    %dma_start3A_36 = tpu.memref_squeeze %dma_start3A_35 : memref<1x128x128xf32, #tpu.memory_space<vmem>> -> memref<128x128xf32, #tpu.memory_space<vmem>>
    %dma_start3A_37 = arith.constant 384 : i32
    %dma_start3A_38 = tpu.memref_slice %arg5[%dma_start3A_37] : memref<25600xi32, #tpu.memory_space<vmem>> -> memref<128xi32, #tpu.memory_space<vmem>>
    %dma_start3A_39 = arith.constant 0 : i32
    %dma_start3A_40 = arith.constant 0 : i32
    %dma_start3A_41 = tpu.memref_slice %arg3[%dma_start3A_39, %dma_start3A_40] : memref<1000000x128xf32, #tpu.memory_space<hbm>> -> memref<1000000x128xf32, #tpu.memory_space<hbm>>
    tpu.enqueue_indirect_dma source(%dma_start3A_41 : memref<1000000x128xf32, #tpu.memory_space<hbm>>) target(%dma_start3A_36 : memref<128x128xf32, #tpu.memory_space<vmem>>) offsets(%dma_start3A_38 : memref<128xi32, #tpu.memory_space<vmem>>) semaphore(%arg10 : memref<!tpu.dma_semaphore, #tpu.memory_space<semaphore_mem>>)
    %scan3A = arith.constant 0 : i32
    %scan3A_42 = arith.constant 0 : i32
    %scan3A_43 = arith.constant 49 : i32
    %scan3A_44 = arith.addi %scan3A_42, %scan3A_43 : i32
    %scan3A_45 = arith.constant 1 : i32
    scf.for %scan3A_206 = %scan3A_42 to %scan3A_44 step %scan3A_45  : i32 {
      %mul3A_207 = arith.constant 4 : i32
      %mul3A_208 = arith.muli %scan3A_206, %mul3A_207 : i32
      %add3A_209 = arith.constant 0 : i32
      %add3A_210 = arith.addi %mul3A_208, %add3A_209 : i32
      %mul3A_211 = arith.constant 128 : i32
      %mul3A_212 = arith.muli %add3A_210, %mul3A_211 : i32
      %dma_wait3A_213 = arith.constant 0 : i32
      %dma_wait3A_214 = arith.constant 0 : i32
      %dma_wait3A_215 = arith.constant 0 : i32
      %dma_wait3A_216 = tpu.memref_slice %arg6[%dma_wait3A_213, %dma_wait3A_214, %dma_wait3A_215] : memref<4x128x128xf32, #tpu.memory_space<vmem>> -> memref<1x128x128xf32, #tpu.memory_space<vmem>>
      %dma_wait3A_217 = tpu.memref_squeeze %dma_wait3A_216 : memref<1x128x128xf32, #tpu.memory_space<vmem>> -> memref<128x128xf32, #tpu.memory_space<vmem>>
      %dma_wait3A_218 = tpu.memref_slice %arg5[%mul3A_212] : memref<25600xi32, #tpu.memory_space<vmem>> -> memref<128xi32, #tpu.memory_space<vmem>>
      %dma_wait3A_219 = arith.constant 0 : i32
      %dma_wait3A_220 = arith.constant 0 : i32
      %dma_wait3A_221 = tpu.memref_slice %arg3[%dma_wait3A_219, %dma_wait3A_220] : memref<1000000x128xf32, #tpu.memory_space<hbm>> -> memref<1000000x128xf32, #tpu.memory_space<hbm>>
      tpu.wait_indirect_dma semaphore(%arg7 : memref<!tpu.dma_semaphore, #tpu.memory_space<semaphore_mem>>) src(%dma_wait3A_221 : memref<1000000x128xf32, #tpu.memory_space<hbm>>) dst(%dma_wait3A_217 : memref<128x128xf32, #tpu.memory_space<vmem>>)
      %mul3A_222 = arith.constant 128 : i32
      %mul3A_223 = arith.muli %add3A_210, %mul3A_222 : i32
      %add3A_224 = arith.addi %mul3A_2, %mul3A_223 : i32
      %dma_start3A_225 = arith.constant 0 : i32
      %dma_start3A_226 = arith.constant 0 : i32
      %dma_start3A_227 = arith.constant 0 : i32
      %dma_start3A_228 = tpu.memref_slice %arg6[%dma_start3A_225, %dma_start3A_226, %dma_start3A_227] : memref<4x128x128xf32, #tpu.memory_space<vmem>> -> memref<1x128x128xf32, #tpu.memory_space<vmem>>
      %dma_start3A_229 = tpu.memref_squeeze %dma_start3A_228 : memref<1x128x128xf32, #tpu.memory_space<vmem>> -> memref<128x128xf32, #tpu.memory_space<vmem>>
      %dma_start3A_230 = arith.constant 0 : i32
      %dma_start3A_231 = tpu.memref_slice %arg4[%add3A_224, %dma_start3A_230] : memref<819200x128xf32, #tpu.memory_space<hbm>> -> memref<128x128xf32, #tpu.memory_space<hbm>>
      %dma_start3A_232 = arith.constant 0 : i32
      %dma_start3A_233 = tpu.memref_slice %arg4[%add3A_224, %dma_start3A_232] : memref<819200x128xf32, #tpu.memory_space<hbm>> -> memref<128x128xf32, #tpu.memory_space<hbm>>
      %dma_start3A_234 = arith.constant 0 : i32
      %dma_start3A_235 = arith.constant 0 : i32
      %dma_start3A_236 = tpu.memref_slice %arg6[%dma_start3A_225, %dma_start3A_234, %dma_start3A_235] : memref<4x128x128xf32, #tpu.memory_space<vmem>> -> memref<1x128x128xf32, #tpu.memory_space<vmem>>
      %dma_start3A_237 = tpu.memref_squeeze %dma_start3A_236 : memref<1x128x128xf32, #tpu.memory_space<vmem>> -> memref<128x128xf32, #tpu.memory_space<vmem>>
      tpu.enqueue_dma source(%dma_start3A_237 : memref<128x128xf32, #tpu.memory_space<vmem>>) target(%dma_start3A_233 : memref<128x128xf32, #tpu.memory_space<hbm>>) target_semaphore(%arg11 : memref<!tpu.dma_semaphore, #tpu.memory_space<semaphore_mem>>)
      %mul3A_238 = arith.constant 4 : i32
      %mul3A_239 = arith.muli %scan3A_206, %mul3A_238 : i32
      %add3A_240 = arith.constant 1 : i32
      %add3A_241 = arith.addi %mul3A_239, %add3A_240 : i32
      %mul3A_242 = arith.constant 128 : i32
      %mul3A_243 = arith.muli %add3A_241, %mul3A_242 : i32
      %dma_wait3A_244 = arith.constant 1 : i32
      %dma_wait3A_245 = arith.constant 0 : i32
      %dma_wait3A_246 = arith.constant 0 : i32
      %dma_wait3A_247 = tpu.memref_slice %arg6[%dma_wait3A_244, %dma_wait3A_245, %dma_wait3A_246] : memref<4x128x128xf32, #tpu.memory_space<vmem>> -> memref<1x128x128xf32, #tpu.memory_space<vmem>>
      %dma_wait3A_248 = tpu.memref_squeeze %dma_wait3A_247 : memref<1x128x128xf32, #tpu.memory_space<vmem>> -> memref<128x128xf32, #tpu.memory_space<vmem>>
      %dma_wait3A_249 = tpu.memref_slice %arg5[%mul3A_243] : memref<25600xi32, #tpu.memory_space<vmem>> -> memref<128xi32, #tpu.memory_space<vmem>>
      %dma_wait3A_250 = arith.constant 0 : i32
      %dma_wait3A_251 = arith.constant 0 : i32
      %dma_wait3A_252 = tpu.memref_slice %arg3[%dma_wait3A_250, %dma_wait3A_251] : memref<1000000x128xf32, #tpu.memory_space<hbm>> -> memref<1000000x128xf32, #tpu.memory_space<hbm>>
      tpu.wait_indirect_dma semaphore(%arg8 : memref<!tpu.dma_semaphore, #tpu.memory_space<semaphore_mem>>) src(%dma_wait3A_252 : memref<1000000x128xf32, #tpu.memory_space<hbm>>) dst(%dma_wait3A_248 : memref<128x128xf32, #tpu.memory_space<vmem>>)
      %mul3A_253 = arith.constant 128 : i32
      %mul3A_254 = arith.muli %add3A_241, %mul3A_253 : i32
      %add3A_255 = arith.addi %mul3A_2, %mul3A_254 : i32
      %dma_start3A_256 = arith.constant 1 : i32
      %dma_start3A_257 = arith.constant 0 : i32
      %dma_start3A_258 = arith.constant 0 : i32
      %dma_start3A_259 = tpu.memref_slice %arg6[%dma_start3A_256, %dma_start3A_257, %dma_start3A_258] : memref<4x128x128xf32, #tpu.memory_space<vmem>> -> memref<1x128x128xf32, #tpu.memory_space<vmem>>
      %dma_start3A_260 = tpu.memref_squeeze %dma_start3A_259 : memref<1x128x128xf32, #tpu.memory_space<vmem>> -> memref<128x128xf32, #tpu.memory_space<vmem>>
      %dma_start3A_261 = arith.constant 0 : i32
      %dma_start3A_262 = tpu.memref_slice %arg4[%add3A_255, %dma_start3A_261] : memref<819200x128xf32, #tpu.memory_space<hbm>> -> memref<128x128xf32, #tpu.memory_space<hbm>>
      %dma_start3A_263 = arith.constant 0 : i32
      %dma_start3A_264 = tpu.memref_slice %arg4[%add3A_255, %dma_start3A_263] : memref<819200x128xf32, #tpu.memory_space<hbm>> -> memref<128x128xf32, #tpu.memory_space<hbm>>
      %dma_start3A_265 = arith.constant 0 : i32
      %dma_start3A_266 = arith.constant 0 : i32
      %dma_start3A_267 = tpu.memref_slice %arg6[%dma_start3A_256, %dma_start3A_265, %dma_start3A_266] : memref<4x128x128xf32, #tpu.memory_space<vmem>> -> memref<1x128x128xf32, #tpu.memory_space<vmem>>
      %dma_start3A_268 = tpu.memref_squeeze %dma_start3A_267 : memref<1x128x128xf32, #tpu.memory_space<vmem>> -> memref<128x128xf32, #tpu.memory_space<vmem>>
      tpu.enqueue_dma source(%dma_start3A_268 : memref<128x128xf32, #tpu.memory_space<vmem>>) target(%dma_start3A_264 : memref<128x128xf32, #tpu.memory_space<hbm>>) target_semaphore(%arg12 : memref<!tpu.dma_semaphore, #tpu.memory_space<semaphore_mem>>)
      %mul3A_269 = arith.constant 4 : i32
      %mul3A_270 = arith.muli %scan3A_206, %mul3A_269 : i32
      %add3A_271 = arith.constant 2 : i32
      %add3A_272 = arith.addi %mul3A_270, %add3A_271 : i32
      %mul3A_273 = arith.constant 128 : i32
      %mul3A_274 = arith.muli %add3A_272, %mul3A_273 : i32
      %dma_wait3A_275 = arith.constant 2 : i32
      %dma_wait3A_276 = arith.constant 0 : i32
      %dma_wait3A_277 = arith.constant 0 : i32
      %dma_wait3A_278 = tpu.memref_slice %arg6[%dma_wait3A_275, %dma_wait3A_276, %dma_wait3A_277] : memref<4x128x128xf32, #tpu.memory_space<vmem>> -> memref<1x128x128xf32, #tpu.memory_space<vmem>>
      %dma_wait3A_279 = tpu.memref_squeeze %dma_wait3A_278 : memref<1x128x128xf32, #tpu.memory_space<vmem>> -> memref<128x128xf32, #tpu.memory_space<vmem>>
      %dma_wait3A_280 = tpu.memref_slice %arg5[%mul3A_274] : memref<25600xi32, #tpu.memory_space<vmem>> -> memref<128xi32, #tpu.memory_space<vmem>>
      %dma_wait3A_281 = arith.constant 0 : i32
      %dma_wait3A_282 = arith.constant 0 : i32
      %dma_wait3A_283 = tpu.memref_slice %arg3[%dma_wait3A_281, %dma_wait3A_282] : memref<1000000x128xf32, #tpu.memory_space<hbm>> -> memref<1000000x128xf32, #tpu.memory_space<hbm>>
      tpu.wait_indirect_dma semaphore(%arg9 : memref<!tpu.dma_semaphore, #tpu.memory_space<semaphore_mem>>) src(%dma_wait3A_283 : memref<1000000x128xf32, #tpu.memory_space<hbm>>) dst(%dma_wait3A_279 : memref<128x128xf32, #tpu.memory_space<vmem>>)
      %mul3A_284 = arith.constant 128 : i32
      %mul3A_285 = arith.muli %add3A_272, %mul3A_284 : i32
      %add3A_286 = arith.addi %mul3A_2, %mul3A_285 : i32
      %dma_start3A_287 = arith.constant 2 : i32
      %dma_start3A_288 = arith.constant 0 : i32
      %dma_start3A_289 = arith.constant 0 : i32
      %dma_start3A_290 = tpu.memref_slice %arg6[%dma_start3A_287, %dma_start3A_288, %dma_start3A_289] : memref<4x128x128xf32, #tpu.memory_space<vmem>> -> memref<1x128x128xf32, #tpu.memory_space<vmem>>
      %dma_start3A_291 = tpu.memref_squeeze %dma_start3A_290 : memref<1x128x128xf32, #tpu.memory_space<vmem>> -> memref<128x128xf32, #tpu.memory_space<vmem>>
      %dma_start3A_292 = arith.constant 0 : i32
      %dma_start3A_293 = tpu.memref_slice %arg4[%add3A_286, %dma_start3A_292] : memref<819200x128xf32, #tpu.memory_space<hbm>> -> memref<128x128xf32, #tpu.memory_space<hbm>>
      %dma_start3A_294 = arith.constant 0 : i32
      %dma_start3A_295 = tpu.memref_slice %arg4[%add3A_286, %dma_start3A_294] : memref<819200x128xf32, #tpu.memory_space<hbm>> -> memref<128x128xf32, #tpu.memory_space<hbm>>
      %dma_start3A_296 = arith.constant 0 : i32
      %dma_start3A_297 = arith.constant 0 : i32
      %dma_start3A_298 = tpu.memref_slice %arg6[%dma_start3A_287, %dma_start3A_296, %dma_start3A_297] : memref<4x128x128xf32, #tpu.memory_space<vmem>> -> memref<1x128x128xf32, #tpu.memory_space<vmem>>
      %dma_start3A_299 = tpu.memref_squeeze %dma_start3A_298 : memref<1x128x128xf32, #tpu.memory_space<vmem>> -> memref<128x128xf32, #tpu.memory_space<vmem>>
      tpu.enqueue_dma source(%dma_start3A_299 : memref<128x128xf32, #tpu.memory_space<vmem>>) target(%dma_start3A_295 : memref<128x128xf32, #tpu.memory_space<hbm>>) target_semaphore(%arg13 : memref<!tpu.dma_semaphore, #tpu.memory_space<semaphore_mem>>)
      %mul3A_300 = arith.constant 4 : i32
      %mul3A_301 = arith.muli %scan3A_206, %mul3A_300 : i32
      %add3A_302 = arith.constant 3 : i32
      %add3A_303 = arith.addi %mul3A_301, %add3A_302 : i32
      %mul3A_304 = arith.constant 128 : i32
      %mul3A_305 = arith.muli %add3A_303, %mul3A_304 : i32
      %dma_wait3A_306 = arith.constant 3 : i32
      %dma_wait3A_307 = arith.constant 0 : i32
      %dma_wait3A_308 = arith.constant 0 : i32
      %dma_wait3A_309 = tpu.memref_slice %arg6[%dma_wait3A_306, %dma_wait3A_307, %dma_wait3A_308] : memref<4x128x128xf32, #tpu.memory_space<vmem>> -> memref<1x128x128xf32, #tpu.memory_space<vmem>>
      %dma_wait3A_310 = tpu.memref_squeeze %dma_wait3A_309 : memref<1x128x128xf32, #tpu.memory_space<vmem>> -> memref<128x128xf32, #tpu.memory_space<vmem>>
      %dma_wait3A_311 = tpu.memref_slice %arg5[%mul3A_305] : memref<25600xi32, #tpu.memory_space<vmem>> -> memref<128xi32, #tpu.memory_space<vmem>>
      %dma_wait3A_312 = arith.constant 0 : i32
      %dma_wait3A_313 = arith.constant 0 : i32
      %dma_wait3A_314 = tpu.memref_slice %arg3[%dma_wait3A_312, %dma_wait3A_313] : memref<1000000x128xf32, #tpu.memory_space<hbm>> -> memref<1000000x128xf32, #tpu.memory_space<hbm>>
      tpu.wait_indirect_dma semaphore(%arg10 : memref<!tpu.dma_semaphore, #tpu.memory_space<semaphore_mem>>) src(%dma_wait3A_314 : memref<1000000x128xf32, #tpu.memory_space<hbm>>) dst(%dma_wait3A_310 : memref<128x128xf32, #tpu.memory_space<vmem>>)
      %mul3A_315 = arith.constant 128 : i32
      %mul3A_316 = arith.muli %add3A_303, %mul3A_315 : i32
      %add3A_317 = arith.addi %mul3A_2, %mul3A_316 : i32
      %dma_start3A_318 = arith.constant 3 : i32
      %dma_start3A_319 = arith.constant 0 : i32
      %dma_start3A_320 = arith.constant 0 : i32
      %dma_start3A_321 = tpu.memref_slice %arg6[%dma_start3A_318, %dma_start3A_319, %dma_start3A_320] : memref<4x128x128xf32, #tpu.memory_space<vmem>> -> memref<1x128x128xf32, #tpu.memory_space<vmem>>
      %dma_start3A_322 = tpu.memref_squeeze %dma_start3A_321 : memref<1x128x128xf32, #tpu.memory_space<vmem>> -> memref<128x128xf32, #tpu.memory_space<vmem>>
      %dma_start3A_323 = arith.constant 0 : i32
      %dma_start3A_324 = tpu.memref_slice %arg4[%add3A_317, %dma_start3A_323] : memref<819200x128xf32, #tpu.memory_space<hbm>> -> memref<128x128xf32, #tpu.memory_space<hbm>>
      %dma_start3A_325 = arith.constant 0 : i32
      %dma_start3A_326 = tpu.memref_slice %arg4[%add3A_317, %dma_start3A_325] : memref<819200x128xf32, #tpu.memory_space<hbm>> -> memref<128x128xf32, #tpu.memory_space<hbm>>
      %dma_start3A_327 = arith.constant 0 : i32
      %dma_start3A_328 = arith.constant 0 : i32
      %dma_start3A_329 = tpu.memref_slice %arg6[%dma_start3A_318, %dma_start3A_327, %dma_start3A_328] : memref<4x128x128xf32, #tpu.memory_space<vmem>> -> memref<1x128x128xf32, #tpu.memory_space<vmem>>
      %dma_start3A_330 = tpu.memref_squeeze %dma_start3A_329 : memref<1x128x128xf32, #tpu.memory_space<vmem>> -> memref<128x128xf32, #tpu.memory_space<vmem>>
      tpu.enqueue_dma source(%dma_start3A_330 : memref<128x128xf32, #tpu.memory_space<vmem>>) target(%dma_start3A_326 : memref<128x128xf32, #tpu.memory_space<hbm>>) target_semaphore(%arg14 : memref<!tpu.dma_semaphore, #tpu.memory_space<semaphore_mem>>)
      %mul3A_331 = arith.constant 4 : i32
      %mul3A_332 = arith.muli %scan3A_206, %mul3A_331 : i32
      %add3A_333 = arith.constant 0 : i32
      %add3A_334 = arith.addi %mul3A_332, %add3A_333 : i32
      %mul3A_335 = arith.constant 128 : i32
      %mul3A_336 = arith.muli %add3A_334, %mul3A_335 : i32
      %add3A_337 = arith.addi %mul3A_2, %mul3A_336 : i32
      %dma_wait3A_338 = arith.constant 0 : i32
      %dma_wait3A_339 = arith.constant 0 : i32
      %dma_wait3A_340 = arith.constant 0 : i32
      %dma_wait3A_341 = tpu.memref_slice %arg6[%dma_wait3A_338, %dma_wait3A_339, %dma_wait3A_340] : memref<4x128x128xf32, #tpu.memory_space<vmem>> -> memref<1x128x128xf32, #tpu.memory_space<vmem>>
      %dma_wait3A_342 = tpu.memref_squeeze %dma_wait3A_341 : memref<1x128x128xf32, #tpu.memory_space<vmem>> -> memref<128x128xf32, #tpu.memory_space<vmem>>
      %dma_wait3A_343 = arith.constant 0 : i32
      %dma_wait3A_344 = tpu.memref_slice %arg4[%add3A_337, %dma_wait3A_343] : memref<819200x128xf32, #tpu.memory_space<hbm>> -> memref<128x128xf32, #tpu.memory_space<hbm>>
      %dma_wait3A_345 = arith.constant 0 : i32
      %dma_wait3A_346 = tpu.memref_slice %arg4[%add3A_337, %dma_wait3A_345] : memref<819200x128xf32, #tpu.memory_space<hbm>> -> memref<128x128xf32, #tpu.memory_space<hbm>>
      %dma_wait3A_347 = arith.constant 0 : i32
      %dma_wait3A_348 = arith.constant 0 : i32
      %dma_wait3A_349 = tpu.memref_slice %arg6[%dma_wait3A_338, %dma_wait3A_347, %dma_wait3A_348] : memref<4x128x128xf32, #tpu.memory_space<vmem>> -> memref<1x128x128xf32, #tpu.memory_space<vmem>>
      %dma_wait3A_350 = tpu.memref_squeeze %dma_wait3A_349 : memref<1x128x128xf32, #tpu.memory_space<vmem>> -> memref<128x128xf32, #tpu.memory_space<vmem>>
      tpu.wait_dma2 semaphore(%arg11 : memref<!tpu.dma_semaphore, #tpu.memory_space<semaphore_mem>>) src(%dma_wait3A_350 : memref<128x128xf32, #tpu.memory_space<vmem>>) dst(%dma_wait3A_346 : memref<128x128xf32, #tpu.memory_space<hbm>>)
      %add3A_351 = arith.constant 4 : i32
      %add3A_352 = arith.addi %add3A_334, %add3A_351 : i32
      %mul3A_353 = arith.constant 128 : i32
      %mul3A_354 = arith.muli %add3A_352, %mul3A_353 : i32
      %dma_start3A_355 = arith.constant 0 : i32
      %dma_start3A_356 = arith.constant 0 : i32
      %dma_start3A_357 = arith.constant 0 : i32
      %dma_start3A_358 = tpu.memref_slice %arg6[%dma_start3A_355, %dma_start3A_356, %dma_start3A_357] : memref<4x128x128xf32, #tpu.memory_space<vmem>> -> memref<1x128x128xf32, #tpu.memory_space<vmem>>
      %dma_start3A_359 = tpu.memref_squeeze %dma_start3A_358 : memref<1x128x128xf32, #tpu.memory_space<vmem>> -> memref<128x128xf32, #tpu.memory_space<vmem>>
      %dma_start3A_360 = tpu.memref_slice %arg5[%mul3A_354] : memref<25600xi32, #tpu.memory_space<vmem>> -> memref<128xi32, #tpu.memory_space<vmem>>
      %dma_start3A_361 = arith.constant 0 : i32
      %dma_start3A_362 = arith.constant 0 : i32
      %dma_start3A_363 = tpu.memref_slice %arg3[%dma_start3A_361, %dma_start3A_362] : memref<1000000x128xf32, #tpu.memory_space<hbm>> -> memref<1000000x128xf32, #tpu.memory_space<hbm>>
      tpu.enqueue_indirect_dma source(%dma_start3A_363 : memref<1000000x128xf32, #tpu.memory_space<hbm>>) target(%dma_start3A_359 : memref<128x128xf32, #tpu.memory_space<vmem>>) offsets(%dma_start3A_360 : memref<128xi32, #tpu.memory_space<vmem>>) semaphore(%arg7 : memref<!tpu.dma_semaphore, #tpu.memory_space<semaphore_mem>>)
      %mul3A_364 = arith.constant 4 : i32
      %mul3A_365 = arith.muli %scan3A_206, %mul3A_364 : i32
      %add3A_366 = arith.constant 1 : i32
      %add3A_367 = arith.addi %mul3A_365, %add3A_366 : i32
      %mul3A_368 = arith.constant 128 : i32
      %mul3A_369 = arith.muli %add3A_367, %mul3A_368 : i32
      %add3A_370 = arith.addi %mul3A_2, %mul3A_369 : i32
      %dma_wait3A_371 = arith.constant 1 : i32
      %dma_wait3A_372 = arith.constant 0 : i32
      %dma_wait3A_373 = arith.constant 0 : i32
      %dma_wait3A_374 = tpu.memref_slice %arg6[%dma_wait3A_371, %dma_wait3A_372, %dma_wait3A_373] : memref<4x128x128xf32, #tpu.memory_space<vmem>> -> memref<1x128x128xf32, #tpu.memory_space<vmem>>
      %dma_wait3A_375 = tpu.memref_squeeze %dma_wait3A_374 : memref<1x128x128xf32, #tpu.memory_space<vmem>> -> memref<128x128xf32, #tpu.memory_space<vmem>>
      %dma_wait3A_376 = arith.constant 0 : i32
      %dma_wait3A_377 = tpu.memref_slice %arg4[%add3A_370, %dma_wait3A_376] : memref<819200x128xf32, #tpu.memory_space<hbm>> -> memref<128x128xf32, #tpu.memory_space<hbm>>
      %dma_wait3A_378 = arith.constant 0 : i32
      %dma_wait3A_379 = tpu.memref_slice %arg4[%add3A_370, %dma_wait3A_378] : memref<819200x128xf32, #tpu.memory_space<hbm>> -> memref<128x128xf32, #tpu.memory_space<hbm>>
      %dma_wait3A_380 = arith.constant 0 : i32
      %dma_wait3A_381 = arith.constant 0 : i32
      %dma_wait3A_382 = tpu.memref_slice %arg6[%dma_wait3A_371, %dma_wait3A_380, %dma_wait3A_381] : memref<4x128x128xf32, #tpu.memory_space<vmem>> -> memref<1x128x128xf32, #tpu.memory_space<vmem>>
      %dma_wait3A_383 = tpu.memref_squeeze %dma_wait3A_382 : memref<1x128x128xf32, #tpu.memory_space<vmem>> -> memref<128x128xf32, #tpu.memory_space<vmem>>
      tpu.wait_dma2 semaphore(%arg12 : memref<!tpu.dma_semaphore, #tpu.memory_space<semaphore_mem>>) src(%dma_wait3A_383 : memref<128x128xf32, #tpu.memory_space<vmem>>) dst(%dma_wait3A_379 : memref<128x128xf32, #tpu.memory_space<hbm>>)
      %add3A_384 = arith.constant 4 : i32
      %add3A_385 = arith.addi %add3A_367, %add3A_384 : i32
      %mul3A_386 = arith.constant 128 : i32
      %mul3A_387 = arith.muli %add3A_385, %mul3A_386 : i32
      %dma_start3A_388 = arith.constant 1 : i32
      %dma_start3A_389 = arith.constant 0 : i32
      %dma_start3A_390 = arith.constant 0 : i32
      %dma_start3A_391 = tpu.memref_slice %arg6[%dma_start3A_388, %dma_start3A_389, %dma_start3A_390] : memref<4x128x128xf32, #tpu.memory_space<vmem>> -> memref<1x128x128xf32, #tpu.memory_space<vmem>>
      %dma_start3A_392 = tpu.memref_squeeze %dma_start3A_391 : memref<1x128x128xf32, #tpu.memory_space<vmem>> -> memref<128x128xf32, #tpu.memory_space<vmem>>
      %dma_start3A_393 = tpu.memref_slice %arg5[%mul3A_387] : memref<25600xi32, #tpu.memory_space<vmem>> -> memref<128xi32, #tpu.memory_space<vmem>>
      %dma_start3A_394 = arith.constant 0 : i32
      %dma_start3A_395 = arith.constant 0 : i32
      %dma_start3A_396 = tpu.memref_slice %arg3[%dma_start3A_394, %dma_start3A_395] : memref<1000000x128xf32, #tpu.memory_space<hbm>> -> memref<1000000x128xf32, #tpu.memory_space<hbm>>
      tpu.enqueue_indirect_dma source(%dma_start3A_396 : memref<1000000x128xf32, #tpu.memory_space<hbm>>) target(%dma_start3A_392 : memref<128x128xf32, #tpu.memory_space<vmem>>) offsets(%dma_start3A_393 : memref<128xi32, #tpu.memory_space<vmem>>) semaphore(%arg8 : memref<!tpu.dma_semaphore, #tpu.memory_space<semaphore_mem>>)
      %mul3A_397 = arith.constant 4 : i32
      %mul3A_398 = arith.muli %scan3A_206, %mul3A_397 : i32
      %add3A_399 = arith.constant 2 : i32
      %add3A_400 = arith.addi %mul3A_398, %add3A_399 : i32
      %mul3A_401 = arith.constant 128 : i32
      %mul3A_402 = arith.muli %add3A_400, %mul3A_401 : i32
      %add3A_403 = arith.addi %mul3A_2, %mul3A_402 : i32
      %dma_wait3A_404 = arith.constant 2 : i32
      %dma_wait3A_405 = arith.constant 0 : i32
      %dma_wait3A_406 = arith.constant 0 : i32
      %dma_wait3A_407 = tpu.memref_slice %arg6[%dma_wait3A_404, %dma_wait3A_405, %dma_wait3A_406] : memref<4x128x128xf32, #tpu.memory_space<vmem>> -> memref<1x128x128xf32, #tpu.memory_space<vmem>>
      %dma_wait3A_408 = tpu.memref_squeeze %dma_wait3A_407 : memref<1x128x128xf32, #tpu.memory_space<vmem>> -> memref<128x128xf32, #tpu.memory_space<vmem>>
      %dma_wait3A_409 = arith.constant 0 : i32
      %dma_wait3A_410 = tpu.memref_slice %arg4[%add3A_403, %dma_wait3A_409] : memref<819200x128xf32, #tpu.memory_space<hbm>> -> memref<128x128xf32, #tpu.memory_space<hbm>>
      %dma_wait3A_411 = arith.constant 0 : i32
      %dma_wait3A_412 = tpu.memref_slice %arg4[%add3A_403, %dma_wait3A_411] : memref<819200x128xf32, #tpu.memory_space<hbm>> -> memref<128x128xf32, #tpu.memory_space<hbm>>
      %dma_wait3A_413 = arith.constant 0 : i32
      %dma_wait3A_414 = arith.constant 0 : i32
      %dma_wait3A_415 = tpu.memref_slice %arg6[%dma_wait3A_404, %dma_wait3A_413, %dma_wait3A_414] : memref<4x128x128xf32, #tpu.memory_space<vmem>> -> memref<1x128x128xf32, #tpu.memory_space<vmem>>
      %dma_wait3A_416 = tpu.memref_squeeze %dma_wait3A_415 : memref<1x128x128xf32, #tpu.memory_space<vmem>> -> memref<128x128xf32, #tpu.memory_space<vmem>>
      tpu.wait_dma2 semaphore(%arg13 : memref<!tpu.dma_semaphore, #tpu.memory_space<semaphore_mem>>) src(%dma_wait3A_416 : memref<128x128xf32, #tpu.memory_space<vmem>>) dst(%dma_wait3A_412 : memref<128x128xf32, #tpu.memory_space<hbm>>)
      %add3A_417 = arith.constant 4 : i32
      %add3A_418 = arith.addi %add3A_400, %add3A_417 : i32
      %mul3A_419 = arith.constant 128 : i32
      %mul3A_420 = arith.muli %add3A_418, %mul3A_419 : i32
      %dma_start3A_421 = arith.constant 2 : i32
      %dma_start3A_422 = arith.constant 0 : i32
      %dma_start3A_423 = arith.constant 0 : i32
      %dma_start3A_424 = tpu.memref_slice %arg6[%dma_start3A_421, %dma_start3A_422, %dma_start3A_423] : memref<4x128x128xf32, #tpu.memory_space<vmem>> -> memref<1x128x128xf32, #tpu.memory_space<vmem>>
      %dma_start3A_425 = tpu.memref_squeeze %dma_start3A_424 : memref<1x128x128xf32, #tpu.memory_space<vmem>> -> memref<128x128xf32, #tpu.memory_space<vmem>>
      %dma_start3A_426 = tpu.memref_slice %arg5[%mul3A_420] : memref<25600xi32, #tpu.memory_space<vmem>> -> memref<128xi32, #tpu.memory_space<vmem>>
      %dma_start3A_427 = arith.constant 0 : i32
      %dma_start3A_428 = arith.constant 0 : i32
      %dma_start3A_429 = tpu.memref_slice %arg3[%dma_start3A_427, %dma_start3A_428] : memref<1000000x128xf32, #tpu.memory_space<hbm>> -> memref<1000000x128xf32, #tpu.memory_space<hbm>>
      tpu.enqueue_indirect_dma source(%dma_start3A_429 : memref<1000000x128xf32, #tpu.memory_space<hbm>>) target(%dma_start3A_425 : memref<128x128xf32, #tpu.memory_space<vmem>>) offsets(%dma_start3A_426 : memref<128xi32, #tpu.memory_space<vmem>>) semaphore(%arg9 : memref<!tpu.dma_semaphore, #tpu.memory_space<semaphore_mem>>)
      %mul3A_430 = arith.constant 4 : i32
      %mul3A_431 = arith.muli %scan3A_206, %mul3A_430 : i32
      %add3A_432 = arith.constant 3 : i32
      %add3A_433 = arith.addi %mul3A_431, %add3A_432 : i32
      %mul3A_434 = arith.constant 128 : i32
      %mul3A_435 = arith.muli %add3A_433, %mul3A_434 : i32
      %add3A_436 = arith.addi %mul3A_2, %mul3A_435 : i32
      %dma_wait3A_437 = arith.constant 3 : i32
      %dma_wait3A_438 = arith.constant 0 : i32
      %dma_wait3A_439 = arith.constant 0 : i32
      %dma_wait3A_440 = tpu.memref_slice %arg6[%dma_wait3A_437, %dma_wait3A_438, %dma_wait3A_439] : memref<4x128x128xf32, #tpu.memory_space<vmem>> -> memref<1x128x128xf32, #tpu.memory_space<vmem>>
      %dma_wait3A_441 = tpu.memref_squeeze %dma_wait3A_440 : memref<1x128x128xf32, #tpu.memory_space<vmem>> -> memref<128x128xf32, #tpu.memory_space<vmem>>
      %dma_wait3A_442 = arith.constant 0 : i32
      %dma_wait3A_443 = tpu.memref_slice %arg4[%add3A_436, %dma_wait3A_442] : memref<819200x128xf32, #tpu.memory_space<hbm>> -> memref<128x128xf32, #tpu.memory_space<hbm>>
      %dma_wait3A_444 = arith.constant 0 : i32
      %dma_wait3A_445 = tpu.memref_slice %arg4[%add3A_436, %dma_wait3A_444] : memref<819200x128xf32, #tpu.memory_space<hbm>> -> memref<128x128xf32, #tpu.memory_space<hbm>>
      %dma_wait3A_446 = arith.constant 0 : i32
      %dma_wait3A_447 = arith.constant 0 : i32
      %dma_wait3A_448 = tpu.memref_slice %arg6[%dma_wait3A_437, %dma_wait3A_446, %dma_wait3A_447] : memref<4x128x128xf32, #tpu.memory_space<vmem>> -> memref<1x128x128xf32, #tpu.memory_space<vmem>>
      %dma_wait3A_449 = tpu.memref_squeeze %dma_wait3A_448 : memref<1x128x128xf32, #tpu.memory_space<vmem>> -> memref<128x128xf32, #tpu.memory_space<vmem>>
      tpu.wait_dma2 semaphore(%arg14 : memref<!tpu.dma_semaphore, #tpu.memory_space<semaphore_mem>>) src(%dma_wait3A_449 : memref<128x128xf32, #tpu.memory_space<vmem>>) dst(%dma_wait3A_445 : memref<128x128xf32, #tpu.memory_space<hbm>>)
      %add3A_450 = arith.constant 4 : i32
      %add3A_451 = arith.addi %add3A_433, %add3A_450 : i32
      %mul3A_452 = arith.constant 128 : i32
      %mul3A_453 = arith.muli %add3A_451, %mul3A_452 : i32
      %dma_start3A_454 = arith.constant 3 : i32
      %dma_start3A_455 = arith.constant 0 : i32
      %dma_start3A_456 = arith.constant 0 : i32
      %dma_start3A_457 = tpu.memref_slice %arg6[%dma_start3A_454, %dma_start3A_455, %dma_start3A_456] : memref<4x128x128xf32, #tpu.memory_space<vmem>> -> memref<1x128x128xf32, #tpu.memory_space<vmem>>
      %dma_start3A_458 = tpu.memref_squeeze %dma_start3A_457 : memref<1x128x128xf32, #tpu.memory_space<vmem>> -> memref<128x128xf32, #tpu.memory_space<vmem>>
      %dma_start3A_459 = tpu.memref_slice %arg5[%mul3A_453] : memref<25600xi32, #tpu.memory_space<vmem>> -> memref<128xi32, #tpu.memory_space<vmem>>
      %dma_start3A_460 = arith.constant 0 : i32
      %dma_start3A_461 = arith.constant 0 : i32
      %dma_start3A_462 = tpu.memref_slice %arg3[%dma_start3A_460, %dma_start3A_461] : memref<1000000x128xf32, #tpu.memory_space<hbm>> -> memref<1000000x128xf32, #tpu.memory_space<hbm>>
      tpu.enqueue_indirect_dma source(%dma_start3A_462 : memref<1000000x128xf32, #tpu.memory_space<hbm>>) target(%dma_start3A_458 : memref<128x128xf32, #tpu.memory_space<vmem>>) offsets(%dma_start3A_459 : memref<128xi32, #tpu.memory_space<vmem>>) semaphore(%arg10 : memref<!tpu.dma_semaphore, #tpu.memory_space<semaphore_mem>>)
    }
    %scan3A_46 = arith.constant 49 : i32
    %dma_wait3A = arith.constant 0 : i32
    %dma_wait3A_47 = arith.constant 0 : i32
    %dma_wait3A_48 = arith.constant 0 : i32
    %dma_wait3A_49 = tpu.memref_slice %arg6[%dma_wait3A, %dma_wait3A_47, %dma_wait3A_48] : memref<4x128x128xf32, #tpu.memory_space<vmem>> -> memref<1x128x128xf32, #tpu.memory_space<vmem>>
    %dma_wait3A_50 = tpu.memref_squeeze %dma_wait3A_49 : memref<1x128x128xf32, #tpu.memory_space<vmem>> -> memref<128x128xf32, #tpu.memory_space<vmem>>
    %dma_wait3A_51 = arith.constant 25088 : i32
    %dma_wait3A_52 = tpu.memref_slice %arg5[%dma_wait3A_51] : memref<25600xi32, #tpu.memory_space<vmem>> -> memref<128xi32, #tpu.memory_space<vmem>>
    %dma_wait3A_53 = arith.constant 0 : i32
    %dma_wait3A_54 = arith.constant 0 : i32
    %dma_wait3A_55 = tpu.memref_slice %arg3[%dma_wait3A_53, %dma_wait3A_54] : memref<1000000x128xf32, #tpu.memory_space<hbm>> -> memref<1000000x128xf32, #tpu.memory_space<hbm>>
    tpu.wait_indirect_dma semaphore(%arg7 : memref<!tpu.dma_semaphore, #tpu.memory_space<semaphore_mem>>) src(%dma_wait3A_55 : memref<1000000x128xf32, #tpu.memory_space<hbm>>) dst(%dma_wait3A_50 : memref<128x128xf32, #tpu.memory_space<vmem>>)
    %add3A_56 = arith.constant 25088 : i32
    %add3A_57 = arith.addi %mul3A_2, %add3A_56 : i32
    %dma_start3A_58 = arith.constant 0 : i32
    %dma_start3A_59 = arith.constant 0 : i32
    %dma_start3A_60 = arith.constant 0 : i32
    %dma_start3A_61 = tpu.memref_slice %arg6[%dma_start3A_58, %dma_start3A_59, %dma_start3A_60] : memref<4x128x128xf32, #tpu.memory_space<vmem>> -> memref<1x128x128xf32, #tpu.memory_space<vmem>>
    %dma_start3A_62 = tpu.memref_squeeze %dma_start3A_61 : memref<1x128x128xf32, #tpu.memory_space<vmem>> -> memref<128x128xf32, #tpu.memory_space<vmem>>
    %dma_start3A_63 = arith.constant 0 : i32
    %dma_start3A_64 = tpu.memref_slice %arg4[%add3A_57, %dma_start3A_63] : memref<819200x128xf32, #tpu.memory_space<hbm>> -> memref<128x128xf32, #tpu.memory_space<hbm>>
    %dma_start3A_65 = arith.constant 0 : i32
    %dma_start3A_66 = tpu.memref_slice %arg4[%add3A_57, %dma_start3A_65] : memref<819200x128xf32, #tpu.memory_space<hbm>> -> memref<128x128xf32, #tpu.memory_space<hbm>>
    %dma_start3A_67 = arith.constant 0 : i32
    %dma_start3A_68 = arith.constant 0 : i32
    %dma_start3A_69 = tpu.memref_slice %arg6[%dma_start3A_58, %dma_start3A_67, %dma_start3A_68] : memref<4x128x128xf32, #tpu.memory_space<vmem>> -> memref<1x128x128xf32, #tpu.memory_space<vmem>>
    %dma_start3A_70 = tpu.memref_squeeze %dma_start3A_69 : memref<1x128x128xf32, #tpu.memory_space<vmem>> -> memref<128x128xf32, #tpu.memory_space<vmem>>
    tpu.enqueue_dma source(%dma_start3A_70 : memref<128x128xf32, #tpu.memory_space<vmem>>) target(%dma_start3A_66 : memref<128x128xf32, #tpu.memory_space<hbm>>) target_semaphore(%arg11 : memref<!tpu.dma_semaphore, #tpu.memory_space<semaphore_mem>>)
    %dma_wait3A_71 = arith.constant 1 : i32
    %dma_wait3A_72 = arith.constant 0 : i32
    %dma_wait3A_73 = arith.constant 0 : i32
    %dma_wait3A_74 = tpu.memref_slice %arg6[%dma_wait3A_71, %dma_wait3A_72, %dma_wait3A_73] : memref<4x128x128xf32, #tpu.memory_space<vmem>> -> memref<1x128x128xf32, #tpu.memory_space<vmem>>
    %dma_wait3A_75 = tpu.memref_squeeze %dma_wait3A_74 : memref<1x128x128xf32, #tpu.memory_space<vmem>> -> memref<128x128xf32, #tpu.memory_space<vmem>>
    %dma_wait3A_76 = arith.constant 25216 : i32
    %dma_wait3A_77 = tpu.memref_slice %arg5[%dma_wait3A_76] : memref<25600xi32, #tpu.memory_space<vmem>> -> memref<128xi32, #tpu.memory_space<vmem>>
    %dma_wait3A_78 = arith.constant 0 : i32
    %dma_wait3A_79 = arith.constant 0 : i32
    %dma_wait3A_80 = tpu.memref_slice %arg3[%dma_wait3A_78, %dma_wait3A_79] : memref<1000000x128xf32, #tpu.memory_space<hbm>> -> memref<1000000x128xf32, #tpu.memory_space<hbm>>
    tpu.wait_indirect_dma semaphore(%arg8 : memref<!tpu.dma_semaphore, #tpu.memory_space<semaphore_mem>>) src(%dma_wait3A_80 : memref<1000000x128xf32, #tpu.memory_space<hbm>>) dst(%dma_wait3A_75 : memref<128x128xf32, #tpu.memory_space<vmem>>)
    %add3A_81 = arith.constant 25216 : i32
    %add3A_82 = arith.addi %mul3A_2, %add3A_81 : i32
    %dma_start3A_83 = arith.constant 1 : i32
    %dma_start3A_84 = arith.constant 0 : i32
    %dma_start3A_85 = arith.constant 0 : i32
    %dma_start3A_86 = tpu.memref_slice %arg6[%dma_start3A_83, %dma_start3A_84, %dma_start3A_85] : memref<4x128x128xf32, #tpu.memory_space<vmem>> -> memref<1x128x128xf32, #tpu.memory_space<vmem>>
    %dma_start3A_87 = tpu.memref_squeeze %dma_start3A_86 : memref<1x128x128xf32, #tpu.memory_space<vmem>> -> memref<128x128xf32, #tpu.memory_space<vmem>>
    %dma_start3A_88 = arith.constant 0 : i32
    %dma_start3A_89 = tpu.memref_slice %arg4[%add3A_82, %dma_start3A_88] : memref<819200x128xf32, #tpu.memory_space<hbm>> -> memref<128x128xf32, #tpu.memory_space<hbm>>
    %dma_start3A_90 = arith.constant 0 : i32
    %dma_start3A_91 = tpu.memref_slice %arg4[%add3A_82, %dma_start3A_90] : memref<819200x128xf32, #tpu.memory_space<hbm>> -> memref<128x128xf32, #tpu.memory_space<hbm>>
    %dma_start3A_92 = arith.constant 0 : i32
    %dma_start3A_93 = arith.constant 0 : i32
    %dma_start3A_94 = tpu.memref_slice %arg6[%dma_start3A_83, %dma_start3A_92, %dma_start3A_93] : memref<4x128x128xf32, #tpu.memory_space<vmem>> -> memref<1x128x128xf32, #tpu.memory_space<vmem>>
    %dma_start3A_95 = tpu.memref_squeeze %dma_start3A_94 : memref<1x128x128xf32, #tpu.memory_space<vmem>> -> memref<128x128xf32, #tpu.memory_space<vmem>>
    tpu.enqueue_dma source(%dma_start3A_95 : memref<128x128xf32, #tpu.memory_space<vmem>>) target(%dma_start3A_91 : memref<128x128xf32, #tpu.memory_space<hbm>>) target_semaphore(%arg12 : memref<!tpu.dma_semaphore, #tpu.memory_space<semaphore_mem>>)
    %dma_wait3A_96 = arith.constant 2 : i32
    %dma_wait3A_97 = arith.constant 0 : i32
    %dma_wait3A_98 = arith.constant 0 : i32
    %dma_wait3A_99 = tpu.memref_slice %arg6[%dma_wait3A_96, %dma_wait3A_97, %dma_wait3A_98] : memref<4x128x128xf32, #tpu.memory_space<vmem>> -> memref<1x128x128xf32, #tpu.memory_space<vmem>>
    %dma_wait3A_100 = tpu.memref_squeeze %dma_wait3A_99 : memref<1x128x128xf32, #tpu.memory_space<vmem>> -> memref<128x128xf32, #tpu.memory_space<vmem>>
    %dma_wait3A_101 = arith.constant 25344 : i32
    %dma_wait3A_102 = tpu.memref_slice %arg5[%dma_wait3A_101] : memref<25600xi32, #tpu.memory_space<vmem>> -> memref<128xi32, #tpu.memory_space<vmem>>
    %dma_wait3A_103 = arith.constant 0 : i32
    %dma_wait3A_104 = arith.constant 0 : i32
    %dma_wait3A_105 = tpu.memref_slice %arg3[%dma_wait3A_103, %dma_wait3A_104] : memref<1000000x128xf32, #tpu.memory_space<hbm>> -> memref<1000000x128xf32, #tpu.memory_space<hbm>>
    tpu.wait_indirect_dma semaphore(%arg9 : memref<!tpu.dma_semaphore, #tpu.memory_space<semaphore_mem>>) src(%dma_wait3A_105 : memref<1000000x128xf32, #tpu.memory_space<hbm>>) dst(%dma_wait3A_100 : memref<128x128xf32, #tpu.memory_space<vmem>>)
    %add3A_106 = arith.constant 25344 : i32
    %add3A_107 = arith.addi %mul3A_2, %add3A_106 : i32
    %dma_start3A_108 = arith.constant 2 : i32
    %dma_start3A_109 = arith.constant 0 : i32
    %dma_start3A_110 = arith.constant 0 : i32
    %dma_start3A_111 = tpu.memref_slice %arg6[%dma_start3A_108, %dma_start3A_109, %dma_start3A_110] : memref<4x128x128xf32, #tpu.memory_space<vmem>> -> memref<1x128x128xf32, #tpu.memory_space<vmem>>
    %dma_start3A_112 = tpu.memref_squeeze %dma_start3A_111 : memref<1x128x128xf32, #tpu.memory_space<vmem>> -> memref<128x128xf32, #tpu.memory_space<vmem>>
    %dma_start3A_113 = arith.constant 0 : i32
    %dma_start3A_114 = tpu.memref_slice %arg4[%add3A_107, %dma_start3A_113] : memref<819200x128xf32, #tpu.memory_space<hbm>> -> memref<128x128xf32, #tpu.memory_space<hbm>>
    %dma_start3A_115 = arith.constant 0 : i32
    %dma_start3A_116 = tpu.memref_slice %arg4[%add3A_107, %dma_start3A_115] : memref<819200x128xf32, #tpu.memory_space<hbm>> -> memref<128x128xf32, #tpu.memory_space<hbm>>
    %dma_start3A_117 = arith.constant 0 : i32
    %dma_start3A_118 = arith.constant 0 : i32
    %dma_start3A_119 = tpu.memref_slice %arg6[%dma_start3A_108, %dma_start3A_117, %dma_start3A_118] : memref<4x128x128xf32, #tpu.memory_space<vmem>> -> memref<1x128x128xf32, #tpu.memory_space<vmem>>
    %dma_start3A_120 = tpu.memref_squeeze %dma_start3A_119 : memref<1x128x128xf32, #tpu.memory_space<vmem>> -> memref<128x128xf32, #tpu.memory_space<vmem>>
    tpu.enqueue_dma source(%dma_start3A_120 : memref<128x128xf32, #tpu.memory_space<vmem>>) target(%dma_start3A_116 : memref<128x128xf32, #tpu.memory_space<hbm>>) target_semaphore(%arg13 : memref<!tpu.dma_semaphore, #tpu.memory_space<semaphore_mem>>)
    %dma_wait3A_121 = arith.constant 3 : i32
    %dma_wait3A_122 = arith.constant 0 : i32
    %dma_wait3A_123 = arith.constant 0 : i32
    %dma_wait3A_124 = tpu.memref_slice %arg6[%dma_wait3A_121, %dma_wait3A_122, %dma_wait3A_123] : memref<4x128x128xf32, #tpu.memory_space<vmem>> -> memref<1x128x128xf32, #tpu.memory_space<vmem>>
    %dma_wait3A_125 = tpu.memref_squeeze %dma_wait3A_124 : memref<1x128x128xf32, #tpu.memory_space<vmem>> -> memref<128x128xf32, #tpu.memory_space<vmem>>
    %dma_wait3A_126 = arith.constant 25472 : i32
    %dma_wait3A_127 = tpu.memref_slice %arg5[%dma_wait3A_126] : memref<25600xi32, #tpu.memory_space<vmem>> -> memref<128xi32, #tpu.memory_space<vmem>>
    %dma_wait3A_128 = arith.constant 0 : i32
    %dma_wait3A_129 = arith.constant 0 : i32
    %dma_wait3A_130 = tpu.memref_slice %arg3[%dma_wait3A_128, %dma_wait3A_129] : memref<1000000x128xf32, #tpu.memory_space<hbm>> -> memref<1000000x128xf32, #tpu.memory_space<hbm>>
    tpu.wait_indirect_dma semaphore(%arg10 : memref<!tpu.dma_semaphore, #tpu.memory_space<semaphore_mem>>) src(%dma_wait3A_130 : memref<1000000x128xf32, #tpu.memory_space<hbm>>) dst(%dma_wait3A_125 : memref<128x128xf32, #tpu.memory_space<vmem>>)
    %add3A_131 = arith.constant 25472 : i32
    %add3A_132 = arith.addi %mul3A_2, %add3A_131 : i32
    %dma_start3A_133 = arith.constant 3 : i32
    %dma_start3A_134 = arith.constant 0 : i32
    %dma_start3A_135 = arith.constant 0 : i32
    %dma_start3A_136 = tpu.memref_slice %arg6[%dma_start3A_133, %dma_start3A_134, %dma_start3A_135] : memref<4x128x128xf32, #tpu.memory_space<vmem>> -> memref<1x128x128xf32, #tpu.memory_space<vmem>>
    %dma_start3A_137 = tpu.memref_squeeze %dma_start3A_136 : memref<1x128x128xf32, #tpu.memory_space<vmem>> -> memref<128x128xf32, #tpu.memory_space<vmem>>
    %dma_start3A_138 = arith.constant 0 : i32
    %dma_start3A_139 = tpu.memref_slice %arg4[%add3A_132, %dma_start3A_138] : memref<819200x128xf32, #tpu.memory_space<hbm>> -> memref<128x128xf32, #tpu.memory_space<hbm>>
    %dma_start3A_140 = arith.constant 0 : i32
    %dma_start3A_141 = tpu.memref_slice %arg4[%add3A_132, %dma_start3A_140] : memref<819200x128xf32, #tpu.memory_space<hbm>> -> memref<128x128xf32, #tpu.memory_space<hbm>>
    %dma_start3A_142 = arith.constant 0 : i32
    %dma_start3A_143 = arith.constant 0 : i32
    %dma_start3A_144 = tpu.memref_slice %arg6[%dma_start3A_133, %dma_start3A_142, %dma_start3A_143] : memref<4x128x128xf32, #tpu.memory_space<vmem>> -> memref<1x128x128xf32, #tpu.memory_space<vmem>>
    %dma_start3A_145 = tpu.memref_squeeze %dma_start3A_144 : memref<1x128x128xf32, #tpu.memory_space<vmem>> -> memref<128x128xf32, #tpu.memory_space<vmem>>
    tpu.enqueue_dma source(%dma_start3A_145 : memref<128x128xf32, #tpu.memory_space<vmem>>) target(%dma_start3A_141 : memref<128x128xf32, #tpu.memory_space<hbm>>) target_semaphore(%arg14 : memref<!tpu.dma_semaphore, #tpu.memory_space<semaphore_mem>>)
    %add3A_146 = arith.constant 25088 : i32
    %add3A_147 = arith.addi %mul3A_2, %add3A_146 : i32
    %dma_wait3A_148 = arith.constant 0 : i32
    %dma_wait3A_149 = arith.constant 0 : i32
    %dma_wait3A_150 = arith.constant 0 : i32
    %dma_wait3A_151 = tpu.memref_slice %arg6[%dma_wait3A_148, %dma_wait3A_149, %dma_wait3A_150] : memref<4x128x128xf32, #tpu.memory_space<vmem>> -> memref<1x128x128xf32, #tpu.memory_space<vmem>>
    %dma_wait3A_152 = tpu.memref_squeeze %dma_wait3A_151 : memref<1x128x128xf32, #tpu.memory_space<vmem>> -> memref<128x128xf32, #tpu.memory_space<vmem>>
    %dma_wait3A_153 = arith.constant 0 : i32
    %dma_wait3A_154 = tpu.memref_slice %arg4[%add3A_147, %dma_wait3A_153] : memref<819200x128xf32, #tpu.memory_space<hbm>> -> memref<128x128xf32, #tpu.memory_space<hbm>>
    %dma_wait3A_155 = arith.constant 0 : i32
    %dma_wait3A_156 = tpu.memref_slice %arg4[%add3A_147, %dma_wait3A_155] : memref<819200x128xf32, #tpu.memory_space<hbm>> -> memref<128x128xf32, #tpu.memory_space<hbm>>
    %dma_wait3A_157 = arith.constant 0 : i32
    %dma_wait3A_158 = arith.constant 0 : i32
    %dma_wait3A_159 = tpu.memref_slice %arg6[%dma_wait3A_148, %dma_wait3A_157, %dma_wait3A_158] : memref<4x128x128xf32, #tpu.memory_space<vmem>> -> memref<1x128x128xf32, #tpu.memory_space<vmem>>
    %dma_wait3A_160 = tpu.memref_squeeze %dma_wait3A_159 : memref<1x128x128xf32, #tpu.memory_space<vmem>> -> memref<128x128xf32, #tpu.memory_space<vmem>>
    tpu.wait_dma2 semaphore(%arg11 : memref<!tpu.dma_semaphore, #tpu.memory_space<semaphore_mem>>) src(%dma_wait3A_160 : memref<128x128xf32, #tpu.memory_space<vmem>>) dst(%dma_wait3A_156 : memref<128x128xf32, #tpu.memory_space<hbm>>)
    %add3A_161 = arith.constant 25216 : i32
    %add3A_162 = arith.addi %mul3A_2, %add3A_161 : i32
    %dma_wait3A_163 = arith.constant 1 : i32
    %dma_wait3A_164 = arith.constant 0 : i32
    %dma_wait3A_165 = arith.constant 0 : i32
    %dma_wait3A_166 = tpu.memref_slice %arg6[%dma_wait3A_163, %dma_wait3A_164, %dma_wait3A_165] : memref<4x128x128xf32, #tpu.memory_space<vmem>> -> memref<1x128x128xf32, #tpu.memory_space<vmem>>
    %dma_wait3A_167 = tpu.memref_squeeze %dma_wait3A_166 : memref<1x128x128xf32, #tpu.memory_space<vmem>> -> memref<128x128xf32, #tpu.memory_space<vmem>>
    %dma_wait3A_168 = arith.constant 0 : i32
    %dma_wait3A_169 = tpu.memref_slice %arg4[%add3A_162, %dma_wait3A_168] : memref<819200x128xf32, #tpu.memory_space<hbm>> -> memref<128x128xf32, #tpu.memory_space<hbm>>
    %dma_wait3A_170 = arith.constant 0 : i32
    %dma_wait3A_171 = tpu.memref_slice %arg4[%add3A_162, %dma_wait3A_170] : memref<819200x128xf32, #tpu.memory_space<hbm>> -> memref<128x128xf32, #tpu.memory_space<hbm>>
    %dma_wait3A_172 = arith.constant 0 : i32
    %dma_wait3A_173 = arith.constant 0 : i32
    %dma_wait3A_174 = tpu.memref_slice %arg6[%dma_wait3A_163, %dma_wait3A_172, %dma_wait3A_173] : memref<4x128x128xf32, #tpu.memory_space<vmem>> -> memref<1x128x128xf32, #tpu.memory_space<vmem>>
    %dma_wait3A_175 = tpu.memref_squeeze %dma_wait3A_174 : memref<1x128x128xf32, #tpu.memory_space<vmem>> -> memref<128x128xf32, #tpu.memory_space<vmem>>
    tpu.wait_dma2 semaphore(%arg12 : memref<!tpu.dma_semaphore, #tpu.memory_space<semaphore_mem>>) src(%dma_wait3A_175 : memref<128x128xf32, #tpu.memory_space<vmem>>) dst(%dma_wait3A_171 : memref<128x128xf32, #tpu.memory_space<hbm>>)
    %add3A_176 = arith.constant 25344 : i32
    %add3A_177 = arith.addi %mul3A_2, %add3A_176 : i32
    %dma_wait3A_178 = arith.constant 2 : i32
    %dma_wait3A_179 = arith.constant 0 : i32
    %dma_wait3A_180 = arith.constant 0 : i32
    %dma_wait3A_181 = tpu.memref_slice %arg6[%dma_wait3A_178, %dma_wait3A_179, %dma_wait3A_180] : memref<4x128x128xf32, #tpu.memory_space<vmem>> -> memref<1x128x128xf32, #tpu.memory_space<vmem>>
    %dma_wait3A_182 = tpu.memref_squeeze %dma_wait3A_181 : memref<1x128x128xf32, #tpu.memory_space<vmem>> -> memref<128x128xf32, #tpu.memory_space<vmem>>
    %dma_wait3A_183 = arith.constant 0 : i32
    %dma_wait3A_184 = tpu.memref_slice %arg4[%add3A_177, %dma_wait3A_183] : memref<819200x128xf32, #tpu.memory_space<hbm>> -> memref<128x128xf32, #tpu.memory_space<hbm>>
    %dma_wait3A_185 = arith.constant 0 : i32
    %dma_wait3A_186 = tpu.memref_slice %arg4[%add3A_177, %dma_wait3A_185] : memref<819200x128xf32, #tpu.memory_space<hbm>> -> memref<128x128xf32, #tpu.memory_space<hbm>>
    %dma_wait3A_187 = arith.constant 0 : i32
    %dma_wait3A_188 = arith.constant 0 : i32
    %dma_wait3A_189 = tpu.memref_slice %arg6[%dma_wait3A_178, %dma_wait3A_187, %dma_wait3A_188] : memref<4x128x128xf32, #tpu.memory_space<vmem>> -> memref<1x128x128xf32, #tpu.memory_space<vmem>>
    %dma_wait3A_190 = tpu.memref_squeeze %dma_wait3A_189 : memref<1x128x128xf32, #tpu.memory_space<vmem>> -> memref<128x128xf32, #tpu.memory_space<vmem>>
    tpu.wait_dma2 semaphore(%arg13 : memref<!tpu.dma_semaphore, #tpu.memory_space<semaphore_mem>>) src(%dma_wait3A_190 : memref<128x128xf32, #tpu.memory_space<vmem>>) dst(%dma_wait3A_186 : memref<128x128xf32, #tpu.memory_space<hbm>>)
    %add3A_191 = arith.constant 25472 : i32
    %add3A_192 = arith.addi %mul3A_2, %add3A_191 : i32
    %dma_wait3A_193 = arith.constant 3 : i32
    %dma_wait3A_194 = arith.constant 0 : i32
    %dma_wait3A_195 = arith.constant 0 : i32
    %dma_wait3A_196 = tpu.memref_slice %arg6[%dma_wait3A_193, %dma_wait3A_194, %dma_wait3A_195] : memref<4x128x128xf32, #tpu.memory_space<vmem>> -> memref<1x128x128xf32, #tpu.memory_space<vmem>>
    %dma_wait3A_197 = tpu.memref_squeeze %dma_wait3A_196 : memref<1x128x128xf32, #tpu.memory_space<vmem>> -> memref<128x128xf32, #tpu.memory_space<vmem>>
    %dma_wait3A_198 = arith.constant 0 : i32
    %dma_wait3A_199 = tpu.memref_slice %arg4[%add3A_192, %dma_wait3A_198] : memref<819200x128xf32, #tpu.memory_space<hbm>> -> memref<128x128xf32, #tpu.memory_space<hbm>>
    %dma_wait3A_200 = arith.constant 0 : i32
    %dma_wait3A_201 = tpu.memref_slice %arg4[%add3A_192, %dma_wait3A_200] : memref<819200x128xf32, #tpu.memory_space<hbm>> -> memref<128x128xf32, #tpu.memory_space<hbm>>
    %dma_wait3A_202 = arith.constant 0 : i32
    %dma_wait3A_203 = arith.constant 0 : i32
    %dma_wait3A_204 = tpu.memref_slice %arg6[%dma_wait3A_193, %dma_wait3A_202, %dma_wait3A_203] : memref<4x128x128xf32, #tpu.memory_space<vmem>> -> memref<1x128x128xf32, #tpu.memory_space<vmem>>
    %dma_wait3A_205 = tpu.memref_squeeze %dma_wait3A_204 : memref<1x128x128xf32, #tpu.memory_space<vmem>> -> memref<128x128xf32, #tpu.memory_space<vmem>>
    tpu.wait_dma2 semaphore(%arg14 : memref<!tpu.dma_semaphore, #tpu.memory_space<semaphore_mem>>) src(%dma_wait3A_205 : memref<128x128xf32, #tpu.memory_space<vmem>>) dst(%dma_wait3A_201 : memref<128x128xf32, #tpu.memory_space<hbm>>)
    return
  }
}

</mosaic_0001>

<sc_bundles>
// kernel: kernel.3.cloned.1.call-start
scs
__scs_entry_jumppad:
0x0: {  	(pc) =	sbr.rel $0x88, $3  }
0x1: {  	(tag) =	ssettag $0x0;
	lr =	simm.s32 $0x1  }
0x2: {  	[smem:$0x3F9F] =	sst lr;
	_ =	strace $0xD0000000  }
0x3: {  	_ = 	snop  }
0x4: {  	_ = 	snop  }
0x5: {  	_ = 	snop  }
0x6: {  	_ = 	snop  }
0x7: {  	_ = 	snop  }
__scs_overlays_trampoline_lowered:
0x8: {  	[smem:$0x3FAE] =	sst s0  }
0x9: {  	[smem:$0x3FAF] =	sst s1  }
0xa: {  	[smem:$0x3FB0] =	sst s2  }
0xb: {  	[smem:$0x3FB1] =	sst s3  }
0xc: {  	[smem:$0x3FB2] =	sst s4  }
0xd: {  	[smem:$0x3FB3] =	sst s5  }
0xe: {  	[smem:$0x3FB4] =	sst s6  }
0xf: {  	[smem:$0x3FB5] =	sst s7  }
0x10: {  	[smem:$0x3FB6] =	sst s8  }
0x11: {  	[smem:$0x3FB7] =	sst s9;
	s0 =	simm.s32 @!p0 $0x0  }
0x12: {  	s1 =	sld [smem:$0x3F9D];
	s0 =	simm.s32 @p0 $0x1  }
0x13: {  	[smem:$0x3FB8] =	sst s0;
	s0 =	simm.s32 @!p1 $0x0  }
0x14: {  	s2 =	sld [smem:$0x3F9C];
	s0 =	simm.s32 @p1 $0x1  }
0x15: {  	[smem:$0x3FB9] =	sst s0;
	s0 =	simm.s32 @!p2 $0x0  }
0x16: {  	s3 =	sld [smem:$0x3FDB];
	s0 =	simm.s32 @p2 $0x1  }
0x17: {  	s4 =	simm.s32 $0x1BF5;
	[smem:$0x3FBB] =	sst s0  }
0x18: {  	s0 =	sld [smem:$0x3F9E];
	_ =	swait.ge [sflag:s4], $0x0  }
0x19: {  	s7 =	sld [smem:$0x3F9F]  }
0x1a: {  	s8 =	sadd.s32 $0xFFFFE003, lr  }
0x1b: {  	s9 =	sadd.s32 $0xFFFFFEF7, lr;
	s5 =	simm.s32 $0xFFFFFFFF;
	p2 =	slt.u32 s8, $0xFFFFF086  }
0x1c: {  	p1 =	slt.u32 s9, $0xF7A;
	s5 =	simm.s32 @!p2 $0x0  }
0x1d: {  	s5 =	simm.s32 @p1 $0x1;
	p0 =	seq.s32 s7, s2  }
0x1e: {  	s7 =	smul.u32 @!p0 $0xF7A, s2;
	p2 =	seq.s32 @!p0 s5, $0x0  }
0x1f: {  	s9 =	smul.u32 $0xF7A, s1;
	s8 =	simm.s32 @!p0 $0x1BF5;
	p2 =	por !p2, p0  }
0x20: {  	[sflag:s8] =	ssyncset.s32 @!p0 $0xFFFFF086;
	s6 =	sadd.s32 @!p0 s3, s7;
	s7 =	simm.s32 @!p0 $0x108  }
0x21: {  	s3 =	sadd.s32 s3, s9;
	s6 =	sadd.s32 @!p0 $0x88, s6;
	s7 =	simm.s32 @p2 $0x1082  }
0x22: {  	[simem:s7], [sflag:s8] =	dma.local @!p0 [hbm:s6], $0xF7A  }
0x23: {  	s9 =	sor.u32 $0xD0000000, s2;
	s6 =	simm.s32 $0x108;
	_ =	swait.ge @!p0 [sflag:s8], $0x0  }
0x24: {  	s3 =	sadd.s32 $0x88, s3;
	s6 =	simm.s32 @!p1 $0x1082;
	[sflag:s4] =	ssyncset.s32 $0xFFFFF086  }
0x25: {  	[simem:s6], [sflag:s4] =	dma.local [hbm:s3], $0xF7A  }
0x26: {  	[smem:$0x3F9F] =	sst s1;
	(tag) =	ssettag s2;
	_ =	strace s9  }
0x27: {  	s1 =	sld [smem:$0x3FAF]  }
0x28: {  	s2 =	sld [smem:$0x3FB0]  }
0x29: {  	s4 =	sld [smem:$0x3FB2]  }
0x2a: {  	p0 =	seq.s32 s5, $0x0;
	s5 =	sld [smem:$0x3FB3]  }
0x2b: {  	s6 =	sld [smem:$0x3FB4]  }
0x2c: {  	s7 =	sld [smem:$0x3FB5]  }
0x2d: {  	s3 =	simm.s32 $0x108;
	s8 =	sld [smem:$0x3FB6]  }
0x2e: {  	s3 =	simm.s32 @!p0 $0x1082;
	s9 =	sld [smem:$0x3FB7]  }
0x2f: {  	lr =	sadd.s32 s0, s3;
	s0 =	sld [smem:$0x3FAE]  }
0x30: {  	s3 =	sld [smem:$0x3FB1]  }
0x31: {  	[smem:$0x3FBA] =	sst s10  }
0x32: {  	s10 =	sld [smem:$0x3FB8];
	_ =	sdelay $0x3  }
0x33: {  	p0 =	seq.s32 s10, $0x1;
	s10 =	sld [smem:$0x3FBA];
	_ =	sdelay $0x3  }
0x34: {  	[smem:$0x3FBA] =	sst s10  }
0x35: {  	s10 =	sld [smem:$0x3FB9];
	_ =	sdelay $0x3  }
0x36: {  	p1 =	seq.s32 s10, $0x1;
	s10 =	sld [smem:$0x3FBA];
	_ =	sdelay $0x3  }
0x37: {  	[smem:$0x3FBA] =	sst s10  }
0x38: {  	s10 =	sld [smem:$0x3FBB]  }
0x39: {  	_ = 	snop;
	(pc) =	sbr.ind lr, $3  }
0x3a: {  	_ = 	snop  }
0x3b: {  	_ = 	snop  }
0x3c: {  	p2 =	seq.s32 s10, $0x1;
	s10 =	sld [smem:$0x3FBA]  }
0x3d: {  	_ =	shalt  }
0x3e: {  	_ =	shalt  }
0x3f: {  	_ =	shalt  }
0x40: {  	_ =	shalt  }
0x41: {  	_ =	shalt  }
0x42: {  	_ =	shalt  }
0x43: {  	_ =	shalt  }
0x44: {  	_ =	shalt  }
0x45: {  	_ =	shalt  }
0x46: {  	_ =	shalt  }
0x47: {  	_ =	shalt  }
0x48: {  	_ =	shalt  }
0x49: {  	_ =	shalt  }
0x4a: {  	_ =	shalt  }
0x4b: {  	_ =	shalt  }
0x4c: {  	_ =	shalt  }
0x4d: {  	_ =	shalt  }
0x4e: {  	_ =	shalt  }
0x4f: {  	_ =	shalt  }
0x50: {  	_ =	shalt  }
0x51: {  	_ =	shalt  }
0x52: {  	_ =	shalt  }
0x53: {  	_ =	shalt  }
0x54: {  	_ =	shalt  }
0x55: {  	_ =	shalt  }
0x56: {  	_ =	shalt  }
0x57: {  	_ =	shalt  }
0x58: {  	_ =	shalt  }
0x59: {  	_ =	shalt  }
0x5a: {  	_ =	shalt  }
0x5b: {  	_ =	shalt  }
0x5c: {  	_ =	shalt  }
0x5d: {  	_ =	shalt  }
0x5e: {  	_ =	shalt  }
0x5f: {  	_ =	shalt  }
0x60: {  	_ =	shalt  }
0x61: {  	_ =	shalt  }
0x62: {  	_ =	shalt  }
0x63: {  	_ =	shalt  }
0x64: {  	_ =	shalt  }
0x65: {  	_ =	shalt  }
0x66: {  	_ =	shalt  }
0x67: {  	_ =	shalt  }
0x68: {  	_ =	shalt  }
0x69: {  	_ =	shalt  }
0x6a: {  	_ =	shalt  }
0x6b: {  	_ =	shalt  }
0x6c: {  	_ =	shalt  }
0x6d: {  	_ =	shalt  }
0x6e: {  	_ =	shalt  }
0x6f: {  	_ =	shalt  }
0x70: {  	_ =	shalt  }
0x71: {  	_ =	shalt  }
0x72: {  	_ =	shalt  }
0x73: {  	_ =	shalt  }
0x74: {  	_ =	shalt  }
0x75: {  	_ =	shalt  }
0x76: {  	_ =	shalt  }
0x77: {  	_ =	shalt  }
0x78: {  	_ =	shalt  }
0x79: {  	_ =	shalt  }
0x7a: {  	_ =	shalt  }
0x7b: {  	_ =	shalt  }
0x7c: {  	_ =	shalt  }
0x7d: {  	_ =	shalt  }
0x7e: {  	_ =	shalt  }
0x7f: {  	_ =	shalt  }
0x80: {  	_ =	shalt  }
0x81: {  	_ =	shalt  }
0x82: {  	_ =	shalt  }
0x83: {  	_ =	shalt  }
0x84: {  	_ =	shalt  }
0x85: {  	_ =	shalt  }
0x86: {  	_ =	shalt  }
0x87: {  	_ =	shalt  }
.Lfunc_end0:
.L_simem_size_0:
called_computation.1_lowered:
.L_overlay_start_0:
0x88: {  	s2 =	sld [smem:$0x3FD9]  }
0x89: {  	s3 =	sld [smem:$0x3FFE];
	_ =	sdelay $0x1  }
0x8a: {  	s1 =	srdreg.scid  }
0x8b: {  	s0 =	sand.u32 $0x1, s1  }
0x8c: {  	s17 =	sshll.u32 s0, $0xA;
	s2 =	sadd.s32 s3, s2  }
0x8d: {  	s2 =	sadd.s32 s2, s17  }
0x8e: {  	[smem:$0x3FC6] =	sst s2  }
0x8f: {  	_ = 	snop  }
0x90: {  	s2 =	sld [smem:$0x3FD0];
	(tm) =	ssettm $0x1  }
0x91: {  	s18 =	sld [smem:$0x3FFB];
	_ =	sdelay $0x3  }
0x92: {  	_ =	strace s18  }
0x93: {  	s3 =	sld [smem:$0x3FFC];
	_ =	sdelay $0x3  }
0x94: {  	_ =	strace s3  }
0x95: {  	s3 =	sld [smem:$0x3FFD];
	_ =	sdelay $0x3  }
0x96: {  	_ =	strace s3  }
0x97: {  	_ =	strace $0x8FFFFFFF  }
0x98: {  	s19 =	sld [smem:$0x3FDB];
	_ =	sdelay $0x1  }
0x99: {  	s4 =	simm.s32 $_scs_section_size  }
0x9a: {  	s5 =	simm.s32 $_size__tile_overlayer_lowered;
	s6 =	simm.s32 $_tile_overlayer_lowered  }
0x9b: {  	s22 =	simm.s32 $0x1BFF;
	s21 =	sshll.u32 s6, $0x1;
	s3 =	sadd.s32 s4, s19  }
0x9c: {  	s7 =	simm.s32 $0x0;
	s20 =	sshll.u32 s5, $0x1;
	s5 =	sadd.s32 s21, s3  }
0x9d: {  	[timem:s7], [sflag:s22] =	dma.local [hbm:s5], s20  }
0x9e: {  	_ =	swait.ge [sflag:s22], s20  }
0x9f: {  	s4 =	ssub.s32 $0x0, s20;
	[sflag:s22] =	ssyncset.done $0x0  }
0xa0: {  	[sflag:s22] =	ssyncadd.s32 s4;
	_ =	sdelay $0x1  }
0xa1: {  	s23 =	simm.s32 $0x1B8B  }
0xa2: {  	_ =	swait.ge [sflag:s23], $0x1  }
0xa3: {  	[sflag:s23] =	ssyncset.done $0x0  }
0xa4: {  	s25 =	simm.s32 $0x1B8E;
	s24 =	sld [smem:$0x3FFE];
	[sflag:s23] =	ssyncadd.s32 $0xFFFFFFFF  }
0xa5: {  	s26 =	simm.s32 $execute0_lowered;
	[smem:$0x3FD2] =	sst s25  }
0xa6: {  	s5 =	sshll.u32 s26, $0x1;
	_ =	strace $0x80000046;
	[dreg:$0x1] =	wrdreg $0xFFFFFFFF  }
0xa7: {  	s28 =	simm.s32 $_size_execute0_lowered;
	s3 =	sadd.s32 s3, s5;
	[dreg:$0x0] =	wrdreg $0x0  }
0xa8: {  	s5 =	sshll.u32 s28, $0x1;
	[dreg:$0x2] =	wrdreg s3  }
0xa9: {  	[dreg:$0x3] =	wrdreg s5  }
0xaa: {  	[dreg:$0x4] =	wrdreg $0xC0  }
0xab: {  	_ =	task [dreg:s7], $0x5FFFF  }
0xac: {  	[dreg:$0x1] =	wrdreg $0xFFFFFFFF  }
0xad: {  	[dreg:$0x0] =	wrdreg $0x60  }
0xae: {  	[dreg:$0x2] =	wrdreg s2  }
0xaf: {  	[dreg:$0x3] =	wrdreg s24  }
0xb0: {  	[dreg:$0x4] =	wrdreg $0x9  }
0xb1: {  	_ =	task.clear_ibuf [dreg:s7], $0x5FFFF;
	_ =	strace $0x90000046  }
0xb2: {  	s29 =	simm.s32 $0x9;
	_ =	strace $0x80000048  }
0xb3: {  	_ =	swait.ge [sflag:s29], $0x1  }
0xb4: {  	[sflag:s29] =	ssyncadd.s32 $0xFFFFFFFF  }
0xb5: {  	_ =	strace $0x90000048  }
0xb6: {  	_ =	sfence  }
0xb7: {  	s30 =	sld [smem:$0x0];
	_ =	sdelay $0x2  }
0xb8: {  	s31 =	sshll.u32 s1, $0xD;
	s1 =	sshrl.u32 s1, $0x2  }
0xb9: {  	s3 =	sand.u32 $0x4000, s31;
	s1 =	sadd.s32 s1, s30  }
0xba: {  	s0 =	sor.u32 s3, s0;
	s1 =	sshll.u32 s1, $0x11  }
0xbb: {  	s0 =	sor.u32 s1, s0  }
0xbc: {  	s0 =	sadd.s32 $0x8F2B, s0  }
0xbd: {  	[sflag:s0] =	ssyncadd.remote.s32 $0x1  }
0xbe: {  	_ =	sfence.sel $0xFFFF  }
0xbf: {  	[dreg:$0x0] =	wrdreg $0xFFFFFFFF;
	(pc) =	sbr.abs _section_cstart, $3  }
0xc0: {  	[dreg:$0x1] =	wrdreg $0xFFFFFFFF  }
0xc1: {  	_ =	task.clear_ibuf [dreg:s7], $0x2FFFF;
	_ =	strace $0x9FFFFFFF  }
0xc2: {  	(tm) =	ssettm $0x7FFFFFFF  }
0xc3: {  	_ =	shalt  }
tec
execute0_lowered:
.L_overlay_start_1:
0x0: {  	(tag) =	ssettag $0x1  }
0x1: {  	s0 =	rddreg [dreg:$0x0]  }
0x2: {  	s4 =	rddreg [dreg:$0x1];
	s2 =	simm.s32 $0x0  }
0x3: {  	s3 =	srdreg.scid;
	s1 =	stileid.u32;
	s14 =	simm.s32 $0x6400  }
0x4: {  	s15 =	simm.s32 $0xA400;
	s17 =	simm.s32 $0xE400;
	s18 =	simm.s32 $0x180  }
0x5: {  	s19 =	simm.s32 $0x12400;
	s20 =	simm.s32 $0x1;
	s21 =	simm.s32 $0x2  }
0x6: {  	s28 =	simm.s32 $0x8;
	s29 =	simm.s32 $0x0;
	s8 =	smul.u32 $0x640000, s1  }
0x7: {  	[smem:$0x7FF] =	sst s2;
	s9 =	sand.u32 $0x1, s3;
	s26 =	smul.u32 $0xC8000, s1  }
0x8: {  	s22 =	sshll.u32 s1, $0x1;
	s3 =	sadd.s32 $0xF42E00, s4;
	s13 =	smul.u32 $0x320000, s9  }
0x9: {  	s11 =	sadd.s32 $0xA00, s4;
	s5 =	sor.u32 s9, s22;
	s30 =	smul.u32 $0x64000, s9  }
0xa: {  	_ =	strace $0x80000047;
	s6 =	ssub.s32 $0x2, s9;
	s7 =	smul.u32 $0x320000, s5  }
0xb: {  	s22 =	simm.s32 $0x3;
	s23 =	sshrl.u32 s6, $0x1;
	s5 =	smul.u32 $0x6400, s5  }
0xc: {  	s31 =	sadd.s32 s26, s11;
	s26 =	simm.s32 $0x7;
	s10 =	ssub.s32 s6, s23  }
0xd: {  	s25 =	sadd.s32 s13, s8;
	s13 =	simm.s32 $0x80;
	s23 =	simm.s32 $0x4  }
0xe: {  	s24 =	sshrl.u32 s7, $0x3;
	s5 =	sshrl.u32 s5, $0x3;
	s9 =	smax.u32 s10, $0x1  }
0xf: {  	s12 =	sadd.s32 s11, s24;
	s4 =	sadd.s32 s0, s5;
	s0 =	sshrl.u32 s25, $0x3  }
0x10: {  	s24 =	simm.s32 $0x5;
	s25 =	simm.s32 $0x6;
	s5 =	sadd.s32 $0x62000, s12  }
0x11: {  	s6 =	sadd.s32 $0x62800, s12;
	s7 =	sadd.s32 $0x63000, s12;
	s8 =	sadd.s32 $0x63800, s12  }
0x12: {  	s10 =	sadd.s32 s0, s11;
	s11 =	sadd.s32 s30, s31;
	s12 =	simm.s32 $0x9  }
.LBB2_1:
0x13: {  	[tilespmem:s2], [sflag:$0x9] =	stream.linear.gather [hbm4b:s4+s2], $0x6400, $0x38;
	[tilespmem:$0x16400] =	vst v63  }
0x14: {  	_ =	swait.ge [sflag:s12], $0x6400  }
0x15: {  	[sflag:s12] =	ssyncset.done $0x0  }
0x16: {  	[sflag:s12] =	ssyncadd.s32 $0xFFFF9C00  }
0x17: {  	[tilespmem:s14], [sflag:$0x1] =	stream.indirect.gather [hbm4b:s3+s13], $0x80, s2, s13, $0xb8;
	[tilespmem:$0x16400] =	vst v63  }
0x18: {  	_ = 	snop  }
0x19: {  	[tilespmem:s15], [sflag:$0x2] =	stream.indirect.gather [hbm4b:s3+s13], $0x80, s13, s13, $0xb8;
	[tilespmem:$0x16400] =	vst v63  }
0x1a: {  	s0 =	simm.s32 $0x100  }
0x1b: {  	[tilespmem:s17], [sflag:$0x3] =	stream.indirect.gather [hbm4b:s3+s13], $0x80, s0, s13, $0xb8;
	[tilespmem:$0x16400] =	vst v63  }
0x1c: {  	_ = 	snop  }
0x1d: {  	[tilespmem:s19], [sflag:$0x4] =	stream.indirect.gather [hbm4b:s3+s13], $0x80, s18, s13, $0xb8;
	[tilespmem:$0x16400] =	vst v63  }
0x1e: {  	_ =	swait.ge [sflag:s20], $0x4000  }
0x1f: {  	[sflag:s20] =	ssyncset.done $0x0  }
0x20: {  	s16 =	sadd.s32 $0x0, s10;
	[sflag:s20] =	ssyncadd.s32 $0xFFFFC000  }
0x21: {  	[hbm4b:s16+s2] =	stream.linear.scatter [tilespmem:s14], [sflag:$0x5], $0x4000, $0x38;
	[tilespmem:$0x16400] =	vst v63  }
0x22: {  	_ =	swait.ge [sflag:s21], $0x4000  }
0x23: {  	s1 =	sadd.s32 $0x0, s11;
	[sflag:s21] =	ssyncset.done $0x0  }
0x24: {  	s30 =	sadd.s32 $0x800, s1;
	[sflag:s21] =	ssyncadd.s32 $0xFFFFC000  }
0x25: {  	[hbm4b:s30+s2] =	stream.linear.scatter [tilespmem:s15], [sflag:$0x6], $0x4000, $0x38;
	[tilespmem:$0x16400] =	vst v63  }
0x26: {  	_ =	swait.ge [sflag:s22], $0x4000  }
0x27: {  	[sflag:s22] =	ssyncset.done $0x0  }
0x28: {  	s30 =	sadd.s32 $0x1000, s1;
	[sflag:s22] =	ssyncadd.s32 $0xFFFFC000  }
0x29: {  	[hbm4b:s30+s2] =	stream.linear.scatter [tilespmem:s17], [sflag:$0x7], $0x4000, $0x38;
	[tilespmem:$0x16400] =	vst v63  }
0x2a: {  	_ =	swait.ge [sflag:s23], $0x4000  }
0x2b: {  	[sflag:s23] =	ssyncset.done $0x0  }
0x2c: {  	s0 =	sadd.s32 $0x1800, s1;
	[sflag:s23] =	ssyncadd.s32 $0xFFFFC000  }
0x2d: {  	[hbm4b:s0+s2] =	stream.linear.scatter [tilespmem:s19], [sflag:$0x8], $0x4000, $0x38;
	[tilespmem:$0x16400] =	vst v63  }
0x2e: {  	_ =	swait.ge [sflag:s24], $0x4000  }
0x2f: {  	[sflag:s24] =	ssyncset.done $0x0  }
0x30: {  	s16 =	simm.s32 $0x200;
	[sflag:s24] =	ssyncadd.s32 $0xFFFFC000  }
0x31: {  	[tilespmem:s14], [sflag:$0x1] =	stream.indirect.gather [hbm4b:s3+s13], $0x80, s16, s13, $0xb8;
	[tilespmem:$0x16400] =	vst v63  }
0x32: {  	_ =	swait.ge [sflag:s25], $0x4000  }
0x33: {  	[sflag:s25] =	ssyncset.done $0x0  }
0x34: {  	s1 =	simm.s32 $0x280;
	[sflag:s25] =	ssyncadd.s32 $0xFFFFC000  }
0x35: {  	[tilespmem:s15], [sflag:$0x2] =	stream.indirect.gather [hbm4b:s3+s13], $0x80, s1, s13, $0xb8;
	[tilespmem:$0x16400] =	vst v63  }
0x36: {  	_ =	swait.ge [sflag:s26], $0x4000  }
0x37: {  	[sflag:s26] =	ssyncset.done $0x0  }
0x38: {  	s16 =	simm.s32 $0x300;
	[sflag:s26] =	ssyncadd.s32 $0xFFFFC000  }
0x39: {  	[tilespmem:s17], [sflag:$0x3] =	stream.indirect.gather [hbm4b:s3+s13], $0x80, s16, s13, $0xb8;
	[tilespmem:$0x16400] =	vst v63  }
0x3a: {  	_ =	swait.ge [sflag:s28], $0x4000  }
0x3b: {  	s31 =	simm.s32 $0x2000;
	[sflag:s28] =	ssyncset.done $0x0  }
0x3c: {  	s30 =	simm.s32 $0x380;
	s0 =	simm.s32 $0x580;
	[sflag:s28] =	ssyncadd.s32 $0xFFFFC000  }
.LBB2_2:
0x3d: {  	[tilespmem:s19], [sflag:$0x4] =	stream.indirect.gather [hbm4b:s3+s13], $0x80, s30, s13, $0xb8;
	[tilespmem:$0x16400] =	vst v63  }
0x3e: {  	s1 =	smov.u32 s31;
	s30 =	smov.u32 s0  }
0x3f: {  	p0 =	sne.s32 s31, $0x60000;
	s31 =	sadd.s32 $0x2000, s31;
	_ =	swait.ge [sflag:s20], $0x4000  }
0x40: {  	[sflag:s20] =	ssyncset.done $0x0  }
0x41: {  	s16 =	sadd.s32 s1, s10;
	[sflag:s20] =	ssyncadd.s32 $0xFFFFC000  }
0x42: {  	[hbm4b:s16+s2] =	stream.linear.scatter [tilespmem:s14], [sflag:$0x5], $0x4000, $0x38;
	[tilespmem:$0x16400] =	vst v63  }
0x43: {  	_ =	swait.ge [sflag:s21], $0x4000  }
0x44: {  	s1 =	sadd.s32 s1, s11;
	[sflag:s21] =	ssyncset.done $0x0  }
0x45: {  	s16 =	sadd.s32 $0x800, s1;
	[sflag:s21] =	ssyncadd.s32 $0xFFFFC000  }
0x46: {  	[hbm4b:s16+s2] =	stream.linear.scatter [tilespmem:s15], [sflag:$0x6], $0x4000, $0x38;
	[tilespmem:$0x16400] =	vst v63  }
0x47: {  	_ =	swait.ge [sflag:s22], $0x4000  }
0x48: {  	[sflag:s22] =	ssyncset.done $0x0  }
0x49: {  	s16 =	sadd.s32 $0x1000, s1;
	[sflag:s22] =	ssyncadd.s32 $0xFFFFC000  }
0x4a: {  	[hbm4b:s16+s2] =	stream.linear.scatter [tilespmem:s17], [sflag:$0x7], $0x4000, $0x38;
	[tilespmem:$0x16400] =	vst v63  }
0x4b: {  	_ =	swait.ge [sflag:s23], $0x4000  }
0x4c: {  	[sflag:s23] =	ssyncset.done $0x0  }
0x4d: {  	s1 =	sadd.s32 $0x1800, s1;
	[sflag:s23] =	ssyncadd.s32 $0xFFFFC000  }
0x4e: {  	[hbm4b:s1+s2] =	stream.linear.scatter [tilespmem:s19], [sflag:$0x8], $0x4000, $0x38;
	[tilespmem:$0x16400] =	vst v63  }
0x4f: {  	_ =	swait.ge [sflag:s24], $0x4000  }
0x50: {  	[sflag:s24] =	ssyncset.done $0x0  }
0x51: {  	s1 =	sadd.s32 $0xFFFFFE80, s0;
	[sflag:s24] =	ssyncadd.s32 $0xFFFFC000  }
0x52: {  	[tilespmem:s14], [sflag:$0x1] =	stream.indirect.gather [hbm4b:s3+s13], $0x80, s1, s13, $0xb8;
	[tilespmem:$0x16400] =	vst v63  }
0x53: {  	_ =	swait.ge [sflag:s25], $0x4000  }
0x54: {  	[sflag:s25] =	ssyncset.done $0x0  }
0x55: {  	s1 =	sadd.s32 $0xFFFFFF00, s0;
	[sflag:s25] =	ssyncadd.s32 $0xFFFFC000  }
0x56: {  	[tilespmem:s15], [sflag:$0x2] =	stream.indirect.gather [hbm4b:s3+s13], $0x80, s1, s13, $0xb8;
	[tilespmem:$0x16400] =	vst v63  }
0x57: {  	_ =	swait.ge [sflag:s26], $0x4000  }
0x58: {  	[sflag:s26] =	ssyncset.done $0x0  }
.Ltmp0:
0x59: {  	s1 =	sadd.s32 $0xFFFFFF80, s0;
	[sflag:s26] =	ssyncadd.s32 $0xFFFFC000;
	(pc) =	sbr.rel @p0 .LBB2_2-.Ltmp0, $4  }
0x5a: {  	[tilespmem:s17], [sflag:$0x3] =	stream.indirect.gather [hbm4b:s3+s13], $0x80, s1, s13, $0xb8;
	[tilespmem:$0x16400] =	vst v63  }
0x5b: {  	_ =	swait.ge [sflag:s28], $0x4000  }
0x5c: {  	[sflag:s28] =	ssyncset.done $0x0  }
0x5d: {  	s0 =	sadd.s32 $0x200, s0;
	[sflag:s28] =	ssyncadd.s32 $0xFFFFC000  }
0x5e: {  	[tilespmem:s19], [sflag:$0x4] =	stream.indirect.gather [hbm4b:s3+s13], $0x80, s30, s13, $0xb8;
	[tilespmem:$0x16400] =	vst v63  }
0x5f: {  	_ =	swait.ge [sflag:s20], $0x4000  }
0x60: {  	[sflag:s20] =	ssyncset.done $0x0  }
0x61: {  	[sflag:s20] =	ssyncadd.s32 $0xFFFFC000  }
0x62: {  	[hbm4b:s5+s2] =	stream.linear.scatter [tilespmem:s14], [sflag:$0x5], $0x4000, $0x38;
	[tilespmem:$0x16400] =	vst v63  }
0x63: {  	_ =	swait.ge [sflag:s21], $0x4000  }
0x64: {  	[sflag:s21] =	ssyncset.done $0x0  }
0x65: {  	[sflag:s21] =	ssyncadd.s32 $0xFFFFC000  }
0x66: {  	[hbm4b:s6+s2] =	stream.linear.scatter [tilespmem:s15], [sflag:$0x6], $0x4000, $0x38;
	[tilespmem:$0x16400] =	vst v63  }
0x67: {  	_ =	swait.ge [sflag:s22], $0x4000  }
0x68: {  	[sflag:s22] =	ssyncset.done $0x0  }
0x69: {  	[sflag:s22] =	ssyncadd.s32 $0xFFFFC000  }
0x6a: {  	[hbm4b:s7+s2] =	stream.linear.scatter [tilespmem:s17], [sflag:$0x7], $0x4000, $0x38;
	[tilespmem:$0x16400] =	vst v63  }
0x6b: {  	_ =	swait.ge [sflag:s23], $0x4000  }
0x6c: {  	[sflag:s23] =	ssyncset.done $0x0  }
0x6d: {  	[sflag:s23] =	ssyncadd.s32 $0xFFFFC000  }
0x6e: {  	[hbm4b:s8+s2] =	stream.linear.scatter [tilespmem:s19], [sflag:$0x8], $0x4000, $0x38;
	[tilespmem:$0x16400] =	vst v63  }
0x6f: {  	_ =	swait.ge [sflag:s24], $0x4000  }
0x70: {  	[sflag:s24] =	ssyncset.done $0x0  }
0x71: {  	[sflag:s24] =	ssyncadd.s32 $0xFFFFC000  }
0x72: {  	_ =	swait.ge [sflag:s25], $0x4000  }
0x73: {  	[sflag:s25] =	ssyncset.done $0x0  }
0x74: {  	s29 =	sadd.s32 $0x1, s29;
	[sflag:s25] =	ssyncadd.s32 $0xFFFFC000  }
0x75: {  	p0 =	sne.s32 s29, s9;
	_ =	swait.ge [sflag:s26], $0x4000  }
.Ltmp1:
0x76: {  	[sflag:s26] =	ssyncset.done $0x0;
	(pc) =	sbr.rel @p0 .LBB2_1-.Ltmp1, $4  }
0x77: {  	[sflag:s26] =	ssyncadd.s32 $0xFFFFC000  }
0x78: {  	_ =	swait.ge [sflag:s28], $0x4000  }
0x79: {  	[sflag:s28] =	ssyncset.done $0x0  }
0x7a: {  	[sflag:s28] =	ssyncadd.s32 $0xFFFFC000  }
0x7b: {  	_ =	sfence.sel $0x180000  }
0x7c: {  	[bflag:$0x0] =	sbarrier.arrive $0xFFFF  }
0x7d: {  	_ =	strace $0x90000047  }
0x7e: {  	s0 =	stileid.u32;
	[bflag:$0x2] =	sbarrier.arrive $0xFFFF  }
0x7f: {  	p0 =	sne.s32 s0, $0x0;
	s0 =	rddreg [dreg:$0x2]  }
0x80: {  	s0 =	sadd.s32 @!p0 $0x100000, s0  }
0x81: {  	[sflag:s0] =	ssyncadd.tile.s32 @!p0 $0x1;
	_ =	shalt  }
.Lfunc_end2:
_tile_overlayer_lowered:
.L_overlay_start_2:
0x82: {  	(tag) =	ssettag $0x2  }
0x83: {  	s0 =	rddreg [dreg:$0x0];
	s2 =	stileid.u32  }
0x84: {  	s1 =	rddreg [dreg:$0x1];
	p0 =	sne.s32 s2, $0x0  }
0x85: {  	s3 =	rddreg [dreg:$0x2];
	[bflag:$0x3] =	sbarrier.arrive $0xFFFF;
	s2 =	simm.s32 @!p0 $0x1C09  }
0x86: {  	[timem:s3], [sflag:s2] =	dma.local @!p0 [hbm:s0], s1  }
0x87: {  	s0 =	simm.s32 @!p0 $0x9  }
0x88: {  	_ =	swait.ge @!p0 [sflag:s0], s1  }
0x89: {  	s1 =	ssub.s32 @!p0 $0x0, s1;
	[sflag:s0] =	ssyncset.done @!p0 $0x0  }
0x8a: {  	[sflag:s0] =	ssyncadd.s32 @!p0 s1  }
0x8b: {  	[bflag:$0x3] =	sbarrier.arrive $0xFFFF  }
0x8c: {  	_ =	shalt  }

// kernel: sparse-core-data-format-call.cloned.1.call-start
scs
called_computation_lowered:
.L_overlay_start_0:
0x0: {  	s2 =	sld [smem:$0x3FD9]  }
0x1: {  	s3 =	sld [smem:$0x3FFE];
	_ =	sdelay $0x1  }
0x2: {  	s1 =	srdreg.scid  }
0x3: {  	s0 =	sand.u32 $0x1, s1  }
0x4: {  	s18 =	sshll.u32 s0, $0xA;
	s2 =	sadd.s32 s3, s2  }
0x5: {  	s2 =	sadd.s32 s2, s18  }
0x6: {  	[smem:$0x3FC6] =	sst s2  }
0x7: {  	_ = 	snop  }
0x8: {  	s2 =	sld [smem:$0x3FD0];
	(tm) =	ssettm $0x1  }
0x9: {  	s19 =	sld [smem:$0x3FFB];
	_ =	sdelay $0x3  }
0xa: {  	_ =	strace s19  }
0xb: {  	s3 =	sld [smem:$0x3FFC];
	_ =	sdelay $0x3  }
0xc: {  	_ =	strace s3  }
0xd: {  	s3 =	sld [smem:$0x3FFD];
	_ =	sdelay $0x3  }
0xe: {  	_ =	strace s3  }
0xf: {  	_ =	strace $0x8FFFFFFF  }
0x10: {  	s20 =	sld [smem:$0x3FDB];
	_ =	sdelay $0x1  }
0x11: {  	s4 =	simm.s32 $_scs_section_size  }
0x12: {  	s5 =	simm.s32 $_size__tile_overlayer_lowered;
	s6 =	simm.s32 $_tile_overlayer_lowered  }
0x13: {  	s23 =	simm.s32 $0x1BFF;
	s22 =	sshll.u32 s6, $0x1;
	s3 =	sadd.s32 s4, s20  }
0x14: {  	s7 =	simm.s32 $0x0;
	s21 =	sshll.u32 s5, $0x1;
	s5 =	sadd.s32 s22, s3  }
0x15: {  	[timem:s7], [sflag:s23] =	dma.local [hbm:s5], s21  }
0x16: {  	_ =	swait.ge [sflag:s23], s21  }
0x17: {  	s4 =	ssub.s32 $0x0, s21;
	[sflag:s23] =	ssyncset.done $0x0  }
0x18: {  	[sflag:s23] =	ssyncadd.s32 s4;
	_ =	sdelay $0x1  }
0x19: {  	s24 =	simm.s32 $0x1B8B  }
0x1a: {  	_ =	swait.ge [sflag:s24], $0x1  }
0x1b: {  	[sflag:s24] =	ssyncset.done $0x0  }
0x1c: {  	s26 =	simm.s32 $0x1B8E;
	s25 =	sld [smem:$0x3FFE];
	[sflag:s24] =	ssyncadd.s32 $0xFFFFFFFF  }
0x1d: {  	s27 =	simm.s32 $execute0_lowered;
	[smem:$0x3FD2] =	sst s26  }
0x1e: {  	s5 =	sshll.u32 s27, $0x1;
	_ =	strace $0x80000049;
	[dreg:$0x1] =	wrdreg $0xFFFFFFFF  }
0x1f: {  	s28 =	simm.s32 $_size_execute0_lowered;
	s3 =	sadd.s32 s3, s5;
	[dreg:$0x0] =	wrdreg $0x0  }
0x20: {  	s5 =	sshll.u32 s28, $0x1;
	[dreg:$0x2] =	wrdreg s3  }
0x21: {  	[dreg:$0x3] =	wrdreg s5  }
0x22: {  	[dreg:$0x4] =	wrdreg $0xC0  }
0x23: {  	_ =	task [dreg:s7], $0x5FFFF  }
0x24: {  	[dreg:$0x1] =	wrdreg $0xFFFFFFFF  }
0x25: {  	[dreg:$0x0] =	wrdreg $0x60  }
0x26: {  	[dreg:$0x2] =	wrdreg s25  }
0x27: {  	[dreg:$0x3] =	wrdreg s2  }
0x28: {  	[dreg:$0x4] =	wrdreg $0x9  }
0x29: {  	_ =	task.clear_ibuf [dreg:s7], $0x5FFFF;
	_ =	strace $0x90000049  }
0x2a: {  	s29 =	simm.s32 $0x9;
	_ =	strace $0x8000004B  }
0x2b: {  	_ =	swait.ge [sflag:s29], $0x1  }
0x2c: {  	[sflag:s29] =	ssyncadd.s32 $0xFFFFFFFF  }
0x2d: {  	_ =	strace $0x9000004B  }
0x2e: {  	_ =	sfence  }
0x2f: {  	s30 =	sld [smem:$0x0];
	_ =	sdelay $0x2  }
0x30: {  	s31 =	sshll.u32 s1, $0xD;
	s1 =	sshrl.u32 s1, $0x2  }
0x31: {  	s3 =	sand.u32 $0x4000, s31;
	s1 =	sadd.s32 s1, s30  }
0x32: {  	s0 =	sor.u32 s3, s0;
	s1 =	sshll.u32 s1, $0x11  }
0x33: {  	s0 =	sor.u32 s1, s0  }
0x34: {  	s0 =	sadd.s32 $0x8F2B, s0  }
0x35: {  	[sflag:s0] =	ssyncadd.remote.s32 $0x1  }
0x36: {  	_ =	sfence.sel $0xFFFF  }
0x37: {  	[dreg:$0x0] =	wrdreg $0xFFFFFFFF;
	(pc) =	sbr.abs _section_cstart, $3  }
0x38: {  	[dreg:$0x1] =	wrdreg $0xFFFFFFFF  }
0x39: {  	_ =	task.clear_ibuf [dreg:s7], $0x2FFFF;
	_ =	strace $0x9FFFFFFF  }
0x3a: {  	(tm) =	ssettm $0x7FFFFFFF  }
0x3b: {  	_ =	shalt  }
tec
execute0_lowered:
.L_overlay_start_1:
0x0: {  	(tag) =	ssettag $0x1  }
0x1: {  	s0 =	srdreg.scid  }
0x2: {  	s1 =	sshll.u32 s0, $0x4  }
0x3: {  	s0 =	stileid.u32;
	s1 =	sand.u32 $0x10, s1  }
0x4: {  	s1 =	sor.u32 s0, s1  }
0x5: {  	s6 =	rddreg [dreg:$0x0];
	s4 =	simm.s32 $0x1;
	s2 =	sshll.u32 s1, $0x7  }
0x6: {  	s7 =	simm.s32 $0x2;
	s12 =	simm.s32 $0x0;
	s1 =	ssub.s32 $0x1000, s2  }
0x7: {  	s8 =	simm.s32 $0x8000;
	s13 =	simm.s32 $0x0;
	s3 =	sand.u32 $0xF80, s1  }
0x8: {  	s9 =	simm.s32 $0x0;
	s5 =	sshrl.u32 s1, $0xC;
	p0 =	sne.s32 s3, $0x0  }
.Ltmp0:
0x9: {  	s1 =	rddreg [dreg:$0x2];
	s4 =	simm.s32 @!p0 $0x0;
	(pc) =	sbr.rel .LBB1_1-.Ltmp0, $4  }
0xa: {  	s11 =	simm.s32 $0x0;
	s3 =	rddreg [dreg:$0x1];
	s5 =	sadd.s32 s4, s5  }
0xb: {  	_ =	strace $0x8000004A;
	s4 =	simm.s32 $0x1;
	s5 =	smul.u32 $0xC8, s5  }
0xc: {  	s6 =	sadd.s32 $0xA00, s6;
	s10 =	smov.u32 s2;
	[sflag:s4] =	ssyncpa.u1 $0x0  }
0xd: {  	p0 =	por $0x0, $0x0;
	[sflag:s7] =	ssyncpa.u1 $0x0;
	s7 =	sor.u32 $0x1, s5  }
.LBB1_4:
0xe: {  	s16 =	sshll.u32 s13, $0x3;
	s17 =	sand.u32 $0x78, s13  }
0xf: {  	s30 =	sand.u32 $0x7E00, s13;
	s12 =	sshll.u32 s12, $0xF;
	s16 =	sand.u32 $0xC00, s16  }
0x10: {  	[tilespmem:s15+$0x810 ss:$0x81] =	vst.msk $0xffff, v2;
	s31 =	sand.u32 $0x7, s13;
	s16 =	sor.u32 s17, s16;
	s17 =	sadd.s32 s3, s30  }
0x11: {  	[tilespmem:s15+$0x1020 ss:$0x81] =	vst.msk $0xffff, v0;
	s13 =	sshll.u32 s31, $0x12;
	s12 =	sadd.s32 s12, s17;
	s16 =	sshrl.u32 s16, $0x3  }
0x12: {  	[tilespmem:s15+$0x0 ss:$0x81] =	vst.msk $0xffff, v1;
	s13 =	sor.u32 $0x400, s13;
	s12 =	sadd.s32 s16, s12  }
0x13: {  	[hbm4b:s12+s13] =	stream.strided.scatter [tilespmem:s14], [sflag:$0x2], $0x2000, s8, s13, $0x20;
	[tilespmem:$0x8080] =	vst v63  }
.LBB1_5:
0x14: {  	s14 =	sadd.s32 $0x1, s9  }
0x15: {  	s12 =	sadd.s32 $0x1000, s10;
	s16 =	smov.u32 s10;
	p2 =	sgt.s32 s14, $0xC7  }
0x16: {  	s16 =	smov.u32 @p2 s12  }
0x17: {  	s14 =	simm.s32 @p2 $0x0;
	p2 =	sgt.s32 s16, $0xFFF  }
0x18: {  	s16 =	smov.u32 @p2 s2;
	p2 =	sne.s32 s11, s7  }
.Ltmp1:
0x19: {  	p1 =	slt.u32 s11, $0x2;
	(pc) =	sbr.rel @!p2 .LBB1_6-.Ltmp1, $4  }
0x1a: {  	s15 =	simm.s32 @!p1 $0x2  }
0x1b: {  	s13 =	smov.u32 s10;
	p0 =	por !p0, !p0;
	_ =	swait.ge @!p1 [sflag:s15], $0x2000  }
0x1c: {  	s12 =	smov.u32 s9;
	[sflag:s15] =	ssyncset.done @!p1 $0x0;
	s9 =	smov.u32 s14  }
0x1d: {  	s11 =	sadd.s32 $0x1, s11;
	[sflag:s15] =	ssyncadd.s32 @!p1 $0xFFFFE000;
	s10 =	smov.u32 s16  }
.LBB1_1:
0x1e: {  	p1 =	sge.u32 s11, s5  }
0x1f: {  	s14 =	sand.u32 @!p1 $0x1FFFFFF, s9  }
0x20: {  	s15 =	smulhi.u32 @!p1 $0x147AE15, s14;
	_ =	sdelay $0x1  }
0x21: {  	s15 =	smul.u32 @!p1 $0xC8, s15  }
0x22: {  	s16 =	sxor.u32 @!p1 $0xFFFFFFFF, s11;
	s17 =	smul.u32 @!p1 $0xC80, s10  }
0x23: {  	s31 =	sadd.s32 $0xFFFFFFFF, s11;
	s16 =	sshll.u32 @!p1 s16, $0xD;
	s14 =	ssub.s32 @!p1 s14, s15  }
0x24: {  	s15 =	sand.u32 @!p1 $0x2000, s16;
	s16 =	sadd.s32 @!p1 s6, s17;
	s14 =	sshll.u32 @!p1 s14, $0x4  }
0x25: {  	s17 =	simm.s32 @!p1 $0x6400;
	s14 =	sadd.s32 @!p1 s14, s16;
	s16 =	simm.s32 @!p1 $0x40  }
0x26: {  	[tilespmem:s15], [sflag:$0x1] =	stream.strided.gather @!p1 [hbm4b:s14+s16], $0x2000, s17, s16, $0x38;
	[tilespmem:$0x8080] =	vst v63  }
0x27: {  	p1 =	sge.u32 s31, s5  }
.Ltmp2:
0x28: {  	_ = 	snop;
	(pc) =	sbr.rel @p1 .LBB1_5-.Ltmp2, $1  }
0x29: {  	_ =	sdelay $0x3  }
0x2a: {  	s14 =	simm.s32 $0x1  }
0x2b: {  	_ =	swait.ge [sflag:s4], $0x2000;
	s14 =	simm.s32 @!p0 $0x0  }
0x2c: {  	[sflag:s4] =	ssyncset.done $0x0;
	s15 =	sshll.u32 s14, $0xD  }
0x2d: {  	[sflag:s4] =	ssyncadd.s32 $0xFFFFE000;
	s18 =	sor.u32 $0x20, s15  }
0x2e: {  	s14 =	smul.u32 $0x8100, s14;
	v3 =	vld [tilespmem:s18+$0x10]  }
0x2f: {  	s30 =	sand.u32 $0x1, s11;
	v2 =	vld [tilespmem:s18+$0xFFFFFFF0]  }
0x30: {  	s15 =	smul.u32 $0x8100, s30;
	s14 =	sshrl.u32 s14, $0x2;
	v0 =	vld [tilespmem:s18+$0x0]  }
0x31: {  	v1 =	vld [tilespmem:s18+$0xFFFFFFE0];
	s16 =	sor.u32 $0x4000, s14  }
0x32: {  	s31 =	sshrl.u32 s15, $0x2;
	s15 =	sadd.s32 $0x0, s16  }
0x33: {  	s17 =	simm.s32 $0x4;
	s18 =	sadd.s32 $0x40, s18;
	s14 =	sor.u32 $0x4000, s31;
	[tilespmem:s15+$0x1830 ss:$0x81] =	vst.msk $0xffff, v3  }
.LBB1_3:
0x34: {  	v3 =	vld [tilespmem:s18+$0x10];
	p1 =	sne.s32 s17, $0x1FC;
	[tilespmem:s15+$0x810 ss:$0x81] =	vst.msk $0xffff, v2;
	s19 =	smov.u32 s17;
	s17 =	sadd.s32 $0x4, s17  }
.Ltmp3:
0x35: {  	v2 =	vld [tilespmem:s18+$0xFFFFFFF0];
	[tilespmem:s15+$0x1020 ss:$0x81] =	vst.msk $0xffff, v0;
	(pc) =	sbr.rel @p1 .LBB1_3-.Ltmp3, $4  }
0x36: {  	v0 =	vld [tilespmem:s18+$0x0];
	[tilespmem:s15+$0x0 ss:$0x81] =	vst.msk $0xffff, v1  }
0x37: {  	s15 =	sshra.s32 s19, $0x2;
	v1 =	vld [tilespmem:s18+$0xFFFFFFE0]  }
0x38: {  	s15 =	sadd.s32 s15, s16  }
0x39: {  	s18 =	sadd.s32 $0x40, s18;
	[tilespmem:s15+$0x1830 ss:$0x81] =	vst.msk $0xffff, v3  }
.Ltmp4:
0x3a: {  	_ = 	snop;
	(pc) =	sbr.rel .LBB1_4-.Ltmp4, $1  }
0x3b: {  	_ =	sdelay $0x3  }
.LBB1_6:
0x3c: {  	_ =	sfence.sel $0x180000  }
0x3d: {  	s2 =	simm.s32 $0x1;
	[bflag:$0x0] =	sbarrier.arrive $0xFFFF  }
0x3e: {  	s31 =	simm.s32 $0x2;
	[sflag:s2] =	ssyncpa.u1 $0x1  }
0x3f: {  	[sflag:s31] =	ssyncpa.u1 $0x1  }
0x40: {  	p0 =	sne.s32 s0, $0x0;
	_ =	strace $0x9000004A  }
0x41: {  	s0 =	sadd.s32 @!p0 $0x100000, s1;
	[bflag:$0x2] =	sbarrier.arrive $0xFFFF  }
0x42: {  	[sflag:s0] =	ssyncadd.tile.s32 @!p0 $0x1;
	_ =	shalt  }
.Lfunc_end1:
_tile_overlayer_lowered:
.L_overlay_start_2:
0x43: {  	(tag) =	ssettag $0x2  }
0x44: {  	s0 =	rddreg [dreg:$0x0];
	s2 =	stileid.u32  }
0x45: {  	s1 =	rddreg [dreg:$0x1];
	p0 =	sne.s32 s2, $0x0  }
0x46: {  	s3 =	rddreg [dreg:$0x2];
	[bflag:$0x3] =	sbarrier.arrive $0xFFFF;
	s2 =	simm.s32 @!p0 $0x1C01  }
0x47: {  	[timem:s3], [sflag:s2] =	dma.local @!p0 [hbm:s0], s1  }
0x48: {  	s0 =	simm.s32 @!p0 $0x1  }
0x49: {  	_ =	swait.ge @!p0 [sflag:s0], s1  }
0x4a: {  	s1 =	ssub.s32 @!p0 $0x0, s1;
	[sflag:s0] =	ssyncset.done @!p0 $0x0  }
0x4b: {  	[sflag:s0] =	ssyncadd.s32 @!p0 s1  }
0x4c: {  	[bflag:$0x3] =	sbarrier.arrive $0xFFFF  }
0x4d: {  	_ =	shalt  }

</sc_bundles>
